<compile_context>
chip_gen: v7x
topology: tpu7x:2x2x1
jax: 0.10.2.dev20260603
libtpu: 0.0.44.dev20260713+nightly
codegen_flags: <defaults>
</compile_context>

<pallas_src>
import functools

import jax
import jax.numpy as jnp
from jax import lax
from jax.experimental import pallas as pl
from jax.experimental.pallas import tpu as pltpu
from jax.experimental.pallas import tpu_sc as plsc

N = 10000
E = 320000
D = 128
H = 128
O = 128
G = 64

NC = 2
NS = 16
NW = NC * NS
CH = 128
EPT = -(-E // NW)
K = -(-EPT // CH)
KF = 79
KS = 2 * K - KF
TOTC = NS * (KF + KS)
EPT_PAD = K * CH
NPAD = 10240
RPT = NPAD // NS
NPAD_S = 10112
RPT_S = NPAD_S // NS
BLK = 1000
NBLK = N // BLK

_sc_mesh = plsc.VectorSubcoreMesh(
    core_axis_name="c", subcore_axis_name="s", num_cores=NC, num_subcores=NS)


@functools.partial(
    pl.kernel,
    out_type=jax.ShapeDtypeStruct((NC, 1, NPAD), jnp.float32),
    mesh=_sc_mesh,
    scratch_types=[
        pltpu.VMEM((max(KF, KS), 2, CH), jnp.int32),
        pltpu.VMEM((CH,), jnp.float32),
        pltpu.VMEM_SHARED((NPAD,), jnp.float32),
    ],
)
def _sc_degree(idx_hbm, ones_hbm, zeros_hbm, out_hbm, idx_d, ones_v, deg_sh):
    cid = lax.axis_index("c")
    sid = lax.axis_index("s")
    base = jnp.where(cid == 0, sid * KF, NS * KF + sid * KS)
    kmine = jnp.where(cid == 0, KF, KS)
    r0 = sid * RPT
    pltpu.sync_copy(zeros_hbm.at[pl.ds(r0, RPT)], deg_sh.at[pl.ds(r0, RPT)])
    pltpu.sync_copy(idx_hbm.at[pl.ds(base, max(KF, KS))], idx_d)
    pltpu.sync_copy(ones_hbm, ones_v)
    plsc.subcore_barrier()

    @pl.loop(0, kmine)
    def _chunks(c):
        pltpu.sync_copy(ones_v, deg_sh.at[idx_d.at[c, 1]], add=True)

    plsc.subcore_barrier()
    pltpu.sync_copy(deg_sh.at[pl.ds(r0, RPT)],
                    out_hbm.at[cid, 0, pl.ds(r0, RPT)])


@functools.partial(
    pl.kernel,
    out_type=jax.ShapeDtypeStruct((NC, NPAD_S, D), jnp.float32),
    mesh=_sc_mesh,
    scratch_types=[
        pltpu.VMEM((4, 2, CH), jnp.int32),
        pltpu.VMEM((3, CH, D), jnp.float32),
        pltpu.VMEM_SHARED((NPAD_S, D), jnp.float32),
        pltpu.SemaphoreType.DMA,
        pltpu.SemaphoreType.DMA,
    ],
)
def _sc_scatter(g_hbm, idx_hbm, zeros_hbm, out_hbm,
                idxb, rows, acc_sh, rsem, isem):
    cid = lax.axis_index("c")
    sid = lax.axis_index("s")
    base = jnp.where(cid == 0, sid * KF, NS * KF + sid * KS)
    kmine = jnp.where(cid == 0, KF, KS)
    r0 = sid * RPT_S
    pltpu.sync_copy(zeros_hbm.at[pl.ds(r0, RPT_S)], acc_sh.at[pl.ds(r0, RPT_S)])
    @pl.when(kmine > 0)
    def _prime():
        pltpu.sync_copy(idx_hbm.at[base], idxb.at[0])
        pltpu.async_copy(g_hbm.at[idxb.at[0, 0]], rows.at[0], rsem)
        pltpu.async_copy(idx_hbm.at[base + 1], idxb.at[1], isem)
        pltpu.async_copy(idx_hbm.at[base + 2], idxb.at[2], isem)
        pltpu.async_copy(idx_hbm.at[base + 3], idxb.at[3], isem)
        pltpu.make_async_copy(idx_hbm.at[0], idxb.at[1], isem).wait()
        pltpu.async_copy(g_hbm.at[idxb.at[1, 0]], rows.at[1], rsem)

    plsc.subcore_barrier()

    @pl.loop(0, kmine)
    def _chunks(c):
        buf = lax.rem(c, 3)
        ibuf = lax.rem(c, 4)
        pltpu.make_async_copy(
            zeros_hbm.at[pl.ds(0, CH)], rows.at[buf], rsem).wait()

        @pl.when(c + 2 < kmine)
        def _next_gather():
            i2 = lax.rem(c + 2, 4)
            pltpu.make_async_copy(idx_hbm.at[0], idxb.at[i2], isem).wait()
            pltpu.async_copy(
                g_hbm.at[idxb.at[i2, 0]], rows.at[lax.rem(c + 2, 3)], rsem)

        pltpu.sync_copy(rows.at[buf], acc_sh.at[idxb.at[ibuf, 1]], add=True)

        @pl.when(c + 4 < kmine)
        def _next_idx():
            pltpu.async_copy(idx_hbm.at[base + c + 4], idxb.at[ibuf], isem)

    plsc.subcore_barrier()
    pltpu.sync_copy(acc_sh.at[pl.ds(r0, RPT_S)],
                    out_hbm.at[cid, pl.ds(r0, RPT_S)])


def _tc1_body(x_ref, w1_ref, degt_ref, g1_ref, dinv_ref):
    deg = degt_ref[:, 0:1] + degt_ref[:, 1:2] + 1.0
    dinv = lax.rsqrt(deg)
    dinv_ref[...] = dinv
    g1_ref[...] = jnp.dot(x_ref[...], w1_ref[...],
                          preferred_element_type=jnp.float32) * dinv


def _tc2_body(a0_ref, a1_ref, g_ref, dinv_ref, b_ref, w_ref, out_ref):
    dinv = dinv_ref[...]
    h = jax.nn.relu((a0_ref[...] + a1_ref[...] + g_ref[...]) * dinv
                    + b_ref[...])
    out_ref[...] = jnp.dot(h, w_ref[...],
                           preferred_element_type=jnp.float32) * dinv


def _tc3_body(a0_ref, a1_ref, g_ref, dinv_ref, b_ref, batch_ref,
              wl_ref, bl_ref, out_ref, pooled_ref):
    i = pl.program_id(0)

    @pl.when(i == 0)
    def _init():
        pooled_ref[...] = jnp.zeros_like(pooled_ref)

    h = jax.nn.relu((a0_ref[...] + a1_ref[...] + g_ref[...]) * dinv_ref[...]
                    + b_ref[...])
    seg = lax.broadcasted_iota(jnp.int32, (G, BLK), 0)
    onehot = jnp.where(seg == batch_ref[0], 1.0, 0.0)
    pooled_ref[...] += jnp.dot(onehot, h, preferred_element_type=jnp.float32)

    @pl.when(i == NBLK - 1)
    def _fin():
        out_ref[...] = jnp.dot(pooled_ref[...], wl_ref[...],
                               preferred_element_type=jnp.float32) + bl_ref[...]


def _row_blk(d):
    return pl.BlockSpec((BLK, d), lambda i: (i, 0))


def _full(s0, s1):
    return pl.BlockSpec((s0, s1), lambda i: (0, 0))


def kernel(x, edge_index, batch, W1, b1, W2, b2, Wl, bl):
    src = edge_index[0].astype(jnp.int32)
    dst = edge_index[1].astype(jnp.int32)
    pad = (TOTC + max(KF - KS, 0)) * CH - E
    srcr = jnp.concatenate(
        [src, jnp.zeros((pad,), jnp.int32)]).reshape(-1, CH)
    dstr = jnp.concatenate(
        [dst, jnp.full((pad,), N, jnp.int32)]).reshape(-1, CH)
    idx_all = jnp.stack([srcr, dstr], axis=1)
    zeros2d = jnp.zeros((NPAD_S, D), jnp.float32)
    zeros1d = jnp.zeros((NPAD,), jnp.float32)
    ones_ch = jnp.ones((CH,), jnp.float32)

    deg_parts = _sc_degree(idx_all, ones_ch, zeros1d)
    degt = deg_parts.reshape(NC, NPAD).T

    g1, dinv = pl.pallas_call(
        _tc1_body,
        grid=(NBLK,),
        in_specs=[_row_blk(D), _full(D, H), _row_blk(2)],
        out_specs=[_row_blk(H), _row_blk(1)],
        out_shape=[jax.ShapeDtypeStruct((N, H), jnp.float32),
                   jax.ShapeDtypeStruct((N, 1), jnp.float32)],
    )(x, W1, degt)

    acc1 = _sc_scatter(g1, idx_all, zeros2d)

    g2 = pl.pallas_call(
        _tc2_body,
        grid=(NBLK,),
        in_specs=[_row_blk(H), _row_blk(H), _row_blk(H), _row_blk(1),
                  _full(1, H), _full(H, H)],
        out_specs=_row_blk(H),
        out_shape=jax.ShapeDtypeStruct((N, H), jnp.float32),
    )(acc1[0], acc1[1], g1, dinv, b1.reshape(1, H), W2)

    acc2 = _sc_scatter(g2, idx_all, zeros2d)

    out = pl.pallas_call(
        _tc3_body,
        grid=(NBLK,),
        in_specs=[_row_blk(H), _row_blk(H), _row_blk(H), _row_blk(1),
                  _full(1, H), pl.BlockSpec((1, 1, BLK), lambda i: (i, 0, 0)),
                  _full(H, O), _full(1, O)],
        out_specs=_full(G, O),
        out_shape=jax.ShapeDtypeStruct((G, O), jnp.float32),
        scratch_shapes=[pltpu.VMEM((G, H), jnp.float32)],
    )(acc2[0], acc2[1], g2, dinv, b2.reshape(1, H),
      batch.reshape(NBLK, 1, BLK).astype(jnp.int32), Wl, bl.reshape(1, O))

    return out

# --- scband reference (transcript-rebuilt; emitter-appended) ---
"""Pipeline reference for scband-gnn-61529701482954 (READ-ONLY COPY).

The authoritative reference and input builder live on the scoring server;
editing this copy changes nothing except your own understanding.
"""

import jax, jax.numpy as jnp
import numpy as np

N = 10000
E = 320000
D = 128
H = 128
O = 128
G = 64


def setup_inputs(seed: int = 0):
    key = jax.random.key(seed)
    ks = jax.random.split(key, 9)
    x = jax.random.normal(ks[0], (N, D), dtype=jnp.float32)
    edge_index = jax.random.randint(ks[1], (2, E), 0, N)
    batch = jnp.sort(jax.random.randint(ks[2], (N,), 0, G))
    W1 = jax.random.normal(ks[3], (D, H), dtype=jnp.float32) * 0.05
    b1 = jnp.zeros((H,), dtype=jnp.float32)
    W2 = jax.random.normal(ks[4], (H, H), dtype=jnp.float32) * 0.05
    b2 = jnp.zeros((H,), dtype=jnp.float32)
    Wl = jax.random.normal(ks[5], (H, O), dtype=jnp.float32) * 0.05
    bl = jnp.zeros((O,), dtype=jnp.float32)
    return {"x": x, "edge_index": edge_index, "batch": batch,
            "W1": W1, "b1": b1, "W2": W2, "b2": b2, "Wl": Wl, "bl": bl}


def gcn_conv(x, src, dst, W, b, num_nodes):
    # PyG GCNConv: add self-loops, symmetric deg^{-1/2} normalization
    h = x @ W
    loop = jnp.arange(num_nodes)
    s = jnp.concatenate([src, loop])
    d = jnp.concatenate([dst, loop])
    deg = jnp.zeros((num_nodes,), h.dtype).at[d].add(1.0)
    dinv = jnp.where(deg > 0, jax.lax.rsqrt(deg), 0.0)
    norm = dinv[s] * dinv[d]
    msg = h[s] * norm[:, None]
    out = jnp.zeros((num_nodes, h.shape[1]), h.dtype).at[d].add(msg)
    return out + b


def reference(x, edge_index, batch, W1, b1, W2, b2, Wl, bl):
    src = edge_index[0]
    dst = edge_index[1]
    n = x.shape[0]
    h = jax.nn.relu(gcn_conv(x, src, dst, W1, b1, n))
    h = jax.nn.relu(gcn_conv(h, src, dst, W2, b2, n))
    pooled = jax.ops.segment_sum(h, batch, num_segments=G)
    return pooled @ Wl + bl

if __name__ == "__main__":
    import jax
    _d = setup_inputs()
    print(jax.jit(kernel)(*tuple(_d.values())))

</pallas_src>

<mosaic_0001>
#map = affine_map<(d0, d1) -> (0, 0)>
#map1 = affine_map<(d0, d1) -> (0, 0, 0)>
module attributes {stable_mosaic.version = 14 : i64} {
  func.func @_sc_scatter(%arg0: i32, %arg1: i32, %arg2: memref<10000x128xf32, #tpu.memory_space<hbm>>, %arg3: memref<2528x2x128xi32, #tpu.memory_space<hbm>>, %arg4: memref<10112x128xf32, #tpu.memory_space<hbm>>, %arg5: memref<2x10112x128xf32, #tpu.memory_space<hbm>>, %arg6: memref<4x2x128xi32, #tpu.memory_space<vmem>>, %arg7: memref<3x128x128xf32, #tpu.memory_space<vmem>>, %arg8: memref<10112x128xf32, #tpu.memory_space<vmem_shared>>, %arg9: memref<!tpu.dma_semaphore, #tpu.memory_space<semaphore_mem>>, %arg10: memref<!tpu.dma_semaphore, #tpu.memory_space<semaphore_mem>>) attributes {dimension_semantics = [#tpu.dimension_semantics<core_parallel>, #tpu.dimension_semantics<subcore_parallel>], iteration_bounds = array<i64: 2, 16>, scalar_prefetch = 0 : i64, scratch_operands = 5 : i64, tpu.core_type = #tpu.core_type<sc_vector_subcore>, window_params = [{transform_indices = #map}, {transform_indices = #map1}, {transform_indices = #map}, {transform_indices = #map1}]} {
    %eq3A = arith.constant 0 : i32
    %eq3A_0 = arith.cmpi eq, %arg0, %eq3A : i32
    %mul3A = arith.constant 79 : i32
    %mul3A_1 = arith.muli %arg1, %mul3A : i32
    %mul3A_2 = arith.constant 79 : i32
    %mul3A_3 = arith.muli %arg1, %mul3A_2 : i32
    %add3A = arith.constant 1264 : i32
    %add3A_4 = arith.addi %add3A, %mul3A_3 : i32
    %select_n3A = arith.select %eq3A_0, %mul3A_1, %add3A_4 : i32
    %eq3A_5 = arith.constant 0 : i32
    %eq3A_6 = arith.cmpi eq, %arg0, %eq3A_5 : i32
    %jit3A = arith.constant 79 : i32
    %jit3A_7 = arith.constant 79 : i32
    %select_n3A_8 = arith.select %eq3A_6, %jit3A, %jit3A_7 : i32
    %mul3A_9 = arith.constant 632 : i32
    %mul3A_10 = arith.muli %arg1, %mul3A_9 : i32
    "tpu.region"() ({
      %run_scoped3A = tpu.sem_alloc : memref<!tpu.dma_semaphore, #tpu.memory_space<semaphore_mem>>
      %dma_start3A = arith.constant 0 : i32
      %dma_start3A_30 = tpu.memref_slice %arg8[%mul3A_10, %dma_start3A] : memref<10112x128xf32, #tpu.memory_space<vmem_shared>> -> memref<632x128xf32, #tpu.memory_space<vmem_shared>>
      %dma_start3A_31 = arith.constant 0 : i32
      %dma_start3A_32 = tpu.memref_slice %arg4[%mul3A_10, %dma_start3A_31] : memref<10112x128xf32, #tpu.memory_space<hbm>> -> memref<632x128xf32, #tpu.memory_space<hbm>>
      tpu.enqueue_dma source(%dma_start3A_32 : memref<632x128xf32, #tpu.memory_space<hbm>>) target(%dma_start3A_30 : memref<632x128xf32, #tpu.memory_space<vmem_shared>>) target_semaphore(%run_scoped3A : memref<!tpu.dma_semaphore, #tpu.memory_space<semaphore_mem>>)
      %dma_wait3A = arith.constant 0 : i32
      %dma_wait3A_33 = tpu.memref_slice %arg8[%mul3A_10, %dma_wait3A] : memref<10112x128xf32, #tpu.memory_space<vmem_shared>> -> memref<632x128xf32, #tpu.memory_space<vmem_shared>>
      %dma_wait3A_34 = arith.constant 0 : i32
      %dma_wait3A_35 = tpu.memref_slice %arg4[%mul3A_10, %dma_wait3A_34] : memref<10112x128xf32, #tpu.memory_space<hbm>> -> memref<632x128xf32, #tpu.memory_space<hbm>>
      tpu.wait_dma2 semaphore(%run_scoped3A : memref<!tpu.dma_semaphore, #tpu.memory_space<semaphore_mem>>) src(%dma_wait3A_35 : memref<632x128xf32, #tpu.memory_space<hbm>>) dst(%dma_wait3A_33 : memref<632x128xf32, #tpu.memory_space<vmem_shared>>)
      tpu.yield
    }) : () -> ()
    %gt3A = arith.constant 0 : i32
    %gt3A_11 = arith.cmpi sgt, %select_n3A_8, %gt3A : i32
    %convert_element_type3A = arith.extui %gt3A_11 : i1 to i32
    %cond3A = arith.constant 0 : i32
    %cond3A_12 = arith.cmpi ne, %convert_element_type3A, %cond3A : i32
    scf.if %cond3A_12 {
      %run_scoped3A = arith.constant 0 : i32
      "tpu.region"() ({
        %run_scoped3A_129 = tpu.sem_alloc : memref<!tpu.dma_semaphore, #tpu.memory_space<semaphore_mem>>
        %dma_start3A_130 = arith.constant 0 : i32
        %dma_start3A_131 = arith.constant 0 : i32
        %dma_start3A_132 = tpu.memref_slice %arg6[%run_scoped3A, %dma_start3A_130, %dma_start3A_131] : memref<4x2x128xi32, #tpu.memory_space<vmem>> -> memref<1x2x128xi32, #tpu.memory_space<vmem>>
        %dma_start3A_133 = tpu.memref_squeeze %dma_start3A_132 : memref<1x2x128xi32, #tpu.memory_space<vmem>> -> memref<2x128xi32, #tpu.memory_space<vmem>>
        %dma_start3A_134 = arith.constant 0 : i32
        %dma_start3A_135 = arith.constant 0 : i32
        %dma_start3A_136 = tpu.memref_slice %arg3[%select_n3A, %dma_start3A_134, %dma_start3A_135] : memref<2528x2x128xi32, #tpu.memory_space<hbm>> -> memref<1x2x128xi32, #tpu.memory_space<hbm>>
        %dma_start3A_137 = tpu.memref_squeeze %dma_start3A_136 : memref<1x2x128xi32, #tpu.memory_space<hbm>> -> memref<2x128xi32, #tpu.memory_space<hbm>>
        %dma_start3A_138 = arith.constant 0 : i32
        %dma_start3A_139 = arith.constant 0 : i32
        %dma_start3A_140 = tpu.memref_slice %arg6[%run_scoped3A, %dma_start3A_138, %dma_start3A_139] : memref<4x2x128xi32, #tpu.memory_space<vmem>> -> memref<1x2x128xi32, #tpu.memory_space<vmem>>
        %dma_start3A_141 = tpu.memref_squeeze %dma_start3A_140 : memref<1x2x128xi32, #tpu.memory_space<vmem>> -> memref<2x128xi32, #tpu.memory_space<vmem>>
        %dma_start3A_142 = arith.constant 0 : i32
        %dma_start3A_143 = arith.constant 0 : i32
        %dma_start3A_144 = tpu.memref_slice %arg3[%select_n3A, %dma_start3A_142, %dma_start3A_143] : memref<2528x2x128xi32, #tpu.memory_space<hbm>> -> memref<1x2x128xi32, #tpu.memory_space<hbm>>
        %dma_start3A_145 = tpu.memref_squeeze %dma_start3A_144 : memref<1x2x128xi32, #tpu.memory_space<hbm>> -> memref<2x128xi32, #tpu.memory_space<hbm>>
        tpu.enqueue_dma source(%dma_start3A_145 : memref<2x128xi32, #tpu.memory_space<hbm>>) target(%dma_start3A_141 : memref<2x128xi32, #tpu.memory_space<vmem>>) target_semaphore(%run_scoped3A_129 : memref<!tpu.dma_semaphore, #tpu.memory_space<semaphore_mem>>)
        %dma_wait3A_146 = arith.constant 0 : i32
        %dma_wait3A_147 = arith.constant 0 : i32
        %dma_wait3A_148 = tpu.memref_slice %arg6[%run_scoped3A, %dma_wait3A_146, %dma_wait3A_147] : memref<4x2x128xi32, #tpu.memory_space<vmem>> -> memref<1x2x128xi32, #tpu.memory_space<vmem>>
        %dma_wait3A_149 = tpu.memref_squeeze %dma_wait3A_148 : memref<1x2x128xi32, #tpu.memory_space<vmem>> -> memref<2x128xi32, #tpu.memory_space<vmem>>
        %dma_wait3A_150 = arith.constant 0 : i32
        %dma_wait3A_151 = arith.constant 0 : i32
        %dma_wait3A_152 = tpu.memref_slice %arg3[%select_n3A, %dma_wait3A_150, %dma_wait3A_151] : memref<2528x2x128xi32, #tpu.memory_space<hbm>> -> memref<1x2x128xi32, #tpu.memory_space<hbm>>
        %dma_wait3A_153 = tpu.memref_squeeze %dma_wait3A_152 : memref<1x2x128xi32, #tpu.memory_space<hbm>> -> memref<2x128xi32, #tpu.memory_space<hbm>>
        %dma_wait3A_154 = arith.constant 0 : i32
        %dma_wait3A_155 = arith.constant 0 : i32
        %dma_wait3A_156 = tpu.memref_slice %arg6[%run_scoped3A, %dma_wait3A_154, %dma_wait3A_155] : memref<4x2x128xi32, #tpu.memory_space<vmem>> -> memref<1x2x128xi32, #tpu.memory_space<vmem>>
        %dma_wait3A_157 = tpu.memref_squeeze %dma_wait3A_156 : memref<1x2x128xi32, #tpu.memory_space<vmem>> -> memref<2x128xi32, #tpu.memory_space<vmem>>
        %dma_wait3A_158 = arith.constant 0 : i32
        %dma_wait3A_159 = arith.constant 0 : i32
        %dma_wait3A_160 = tpu.memref_slice %arg3[%select_n3A, %dma_wait3A_158, %dma_wait3A_159] : memref<2528x2x128xi32, #tpu.memory_space<hbm>> -> memref<1x2x128xi32, #tpu.memory_space<hbm>>
        %dma_wait3A_161 = tpu.memref_squeeze %dma_wait3A_160 : memref<1x2x128xi32, #tpu.memory_space<hbm>> -> memref<2x128xi32, #tpu.memory_space<hbm>>
        tpu.wait_dma2 semaphore(%run_scoped3A_129 : memref<!tpu.dma_semaphore, #tpu.memory_space<semaphore_mem>>) src(%dma_wait3A_161 : memref<2x128xi32, #tpu.memory_space<hbm>>) dst(%dma_wait3A_157 : memref<2x128xi32, #tpu.memory_space<vmem>>)
        tpu.yield
      }) : () -> ()
      %dma_start3A = arith.constant 0 : i32
      %dma_start3A_30 = arith.constant 0 : i32
      %dma_start3A_31 = arith.constant 0 : i32
      %dma_start3A_32 = arith.constant 0 : i32
      %dma_start3A_33 = arith.constant 0 : i32
      %dma_start3A_34 = tpu.memref_slice %arg7[%dma_start3A_31, %dma_start3A_32, %dma_start3A_33] : memref<3x128x128xf32, #tpu.memory_space<vmem>> -> memref<1x128x128xf32, #tpu.memory_space<vmem>>
      %dma_start3A_35 = tpu.memref_squeeze %dma_start3A_34 : memref<1x128x128xf32, #tpu.memory_space<vmem>> -> memref<128x128xf32, #tpu.memory_space<vmem>>
      %dma_start3A_36 = arith.constant 0 : i32
      %dma_start3A_37 = tpu.memref_slice %arg6[%dma_start3A, %dma_start3A_30, %dma_start3A_36] : memref<4x2x128xi32, #tpu.memory_space<vmem>> -> memref<1x1x128xi32, #tpu.memory_space<vmem>>
      %dma_start3A_38 = tpu.memref_squeeze %dma_start3A_37 : memref<1x1x128xi32, #tpu.memory_space<vmem>> -> memref<128xi32, #tpu.memory_space<vmem>>
      %dma_start3A_39 = arith.constant 0 : i32
      %dma_start3A_40 = arith.constant 0 : i32
      %dma_start3A_41 = tpu.memref_slice %arg2[%dma_start3A_39, %dma_start3A_40] : memref<10000x128xf32, #tpu.memory_space<hbm>> -> memref<10000x128xf32, #tpu.memory_space<hbm>>
      tpu.enqueue_indirect_dma source(%dma_start3A_41 : memref<10000x128xf32, #tpu.memory_space<hbm>>) target(%dma_start3A_35 : memref<128x128xf32, #tpu.memory_space<vmem>>) offsets(%dma_start3A_38 : memref<128xi32, #tpu.memory_space<vmem>>) semaphore(%arg9 : memref<!tpu.dma_semaphore, #tpu.memory_space<semaphore_mem>>)
      %add3A_42 = arith.constant 1 : i32
      %add3A_43 = arith.addi %select_n3A, %add3A_42 : i32
      %dma_start3A_44 = arith.constant 1 : i32
      %dma_start3A_45 = arith.constant 0 : i32
      %dma_start3A_46 = arith.constant 0 : i32
      %dma_start3A_47 = tpu.memref_slice %arg6[%dma_start3A_44, %dma_start3A_45, %dma_start3A_46] : memref<4x2x128xi32, #tpu.memory_space<vmem>> -> memref<1x2x128xi32, #tpu.memory_space<vmem>>
      %dma_start3A_48 = tpu.memref_squeeze %dma_start3A_47 : memref<1x2x128xi32, #tpu.memory_space<vmem>> -> memref<2x128xi32, #tpu.memory_space<vmem>>
      %dma_start3A_49 = arith.constant 0 : i32
      %dma_start3A_50 = arith.constant 0 : i32
      %dma_start3A_51 = tpu.memref_slice %arg3[%add3A_43, %dma_start3A_49, %dma_start3A_50] : memref<2528x2x128xi32, #tpu.memory_space<hbm>> -> memref<1x2x128xi32, #tpu.memory_space<hbm>>
      %dma_start3A_52 = tpu.memref_squeeze %dma_start3A_51 : memref<1x2x128xi32, #tpu.memory_space<hbm>> -> memref<2x128xi32, #tpu.memory_space<hbm>>
      %dma_start3A_53 = arith.constant 0 : i32
      %dma_start3A_54 = arith.constant 0 : i32
      %dma_start3A_55 = tpu.memref_slice %arg6[%dma_start3A_44, %dma_start3A_53, %dma_start3A_54] : memref<4x2x128xi32, #tpu.memory_space<vmem>> -> memref<1x2x128xi32, #tpu.memory_space<vmem>>
      %dma_start3A_56 = tpu.memref_squeeze %dma_start3A_55 : memref<1x2x128xi32, #tpu.memory_space<vmem>> -> memref<2x128xi32, #tpu.memory_space<vmem>>
      %dma_start3A_57 = arith.constant 0 : i32
      %dma_start3A_58 = arith.constant 0 : i32
      %dma_start3A_59 = tpu.memref_slice %arg3[%add3A_43, %dma_start3A_57, %dma_start3A_58] : memref<2528x2x128xi32, #tpu.memory_space<hbm>> -> memref<1x2x128xi32, #tpu.memory_space<hbm>>
      %dma_start3A_60 = tpu.memref_squeeze %dma_start3A_59 : memref<1x2x128xi32, #tpu.memory_space<hbm>> -> memref<2x128xi32, #tpu.memory_space<hbm>>
      tpu.enqueue_dma source(%dma_start3A_60 : memref<2x128xi32, #tpu.memory_space<hbm>>) target(%dma_start3A_56 : memref<2x128xi32, #tpu.memory_space<vmem>>) target_semaphore(%arg10 : memref<!tpu.dma_semaphore, #tpu.memory_space<semaphore_mem>>)
      %add3A_61 = arith.constant 2 : i32
      %add3A_62 = arith.addi %select_n3A, %add3A_61 : i32
      %dma_start3A_63 = arith.constant 2 : i32
      %dma_start3A_64 = arith.constant 0 : i32
      %dma_start3A_65 = arith.constant 0 : i32
      %dma_start3A_66 = tpu.memref_slice %arg6[%dma_start3A_63, %dma_start3A_64, %dma_start3A_65] : memref<4x2x128xi32, #tpu.memory_space<vmem>> -> memref<1x2x128xi32, #tpu.memory_space<vmem>>
      %dma_start3A_67 = tpu.memref_squeeze %dma_start3A_66 : memref<1x2x128xi32, #tpu.memory_space<vmem>> -> memref<2x128xi32, #tpu.memory_space<vmem>>
      %dma_start3A_68 = arith.constant 0 : i32
      %dma_start3A_69 = arith.constant 0 : i32
      %dma_start3A_70 = tpu.memref_slice %arg3[%add3A_62, %dma_start3A_68, %dma_start3A_69] : memref<2528x2x128xi32, #tpu.memory_space<hbm>> -> memref<1x2x128xi32, #tpu.memory_space<hbm>>
      %dma_start3A_71 = tpu.memref_squeeze %dma_start3A_70 : memref<1x2x128xi32, #tpu.memory_space<hbm>> -> memref<2x128xi32, #tpu.memory_space<hbm>>
      %dma_start3A_72 = arith.constant 0 : i32
      %dma_start3A_73 = arith.constant 0 : i32
      %dma_start3A_74 = tpu.memref_slice %arg6[%dma_start3A_63, %dma_start3A_72, %dma_start3A_73] : memref<4x2x128xi32, #tpu.memory_space<vmem>> -> memref<1x2x128xi32, #tpu.memory_space<vmem>>
      %dma_start3A_75 = tpu.memref_squeeze %dma_start3A_74 : memref<1x2x128xi32, #tpu.memory_space<vmem>> -> memref<2x128xi32, #tpu.memory_space<vmem>>
      %dma_start3A_76 = arith.constant 0 : i32
      %dma_start3A_77 = arith.constant 0 : i32
      %dma_start3A_78 = tpu.memref_slice %arg3[%add3A_62, %dma_start3A_76, %dma_start3A_77] : memref<2528x2x128xi32, #tpu.memory_space<hbm>> -> memref<1x2x128xi32, #tpu.memory_space<hbm>>
      %dma_start3A_79 = tpu.memref_squeeze %dma_start3A_78 : memref<1x2x128xi32, #tpu.memory_space<hbm>> -> memref<2x128xi32, #tpu.memory_space<hbm>>
      tpu.enqueue_dma source(%dma_start3A_79 : memref<2x128xi32, #tpu.memory_space<hbm>>) target(%dma_start3A_75 : memref<2x128xi32, #tpu.memory_space<vmem>>) target_semaphore(%arg10 : memref<!tpu.dma_semaphore, #tpu.memory_space<semaphore_mem>>)
      %add3A_80 = arith.constant 3 : i32
      %add3A_81 = arith.addi %select_n3A, %add3A_80 : i32
      %dma_start3A_82 = arith.constant 3 : i32
      %dma_start3A_83 = arith.constant 0 : i32
      %dma_start3A_84 = arith.constant 0 : i32
      %dma_start3A_85 = tpu.memref_slice %arg6[%dma_start3A_82, %dma_start3A_83, %dma_start3A_84] : memref<4x2x128xi32, #tpu.memory_space<vmem>> -> memref<1x2x128xi32, #tpu.memory_space<vmem>>
      %dma_start3A_86 = tpu.memref_squeeze %dma_start3A_85 : memref<1x2x128xi32, #tpu.memory_space<vmem>> -> memref<2x128xi32, #tpu.memory_space<vmem>>
      %dma_start3A_87 = arith.constant 0 : i32
      %dma_start3A_88 = arith.constant 0 : i32
      %dma_start3A_89 = tpu.memref_slice %arg3[%add3A_81, %dma_start3A_87, %dma_start3A_88] : memref<2528x2x128xi32, #tpu.memory_space<hbm>> -> memref<1x2x128xi32, #tpu.memory_space<hbm>>
      %dma_start3A_90 = tpu.memref_squeeze %dma_start3A_89 : memref<1x2x128xi32, #tpu.memory_space<hbm>> -> memref<2x128xi32, #tpu.memory_space<hbm>>
      %dma_start3A_91 = arith.constant 0 : i32
      %dma_start3A_92 = arith.constant 0 : i32
      %dma_start3A_93 = tpu.memref_slice %arg6[%dma_start3A_82, %dma_start3A_91, %dma_start3A_92] : memref<4x2x128xi32, #tpu.memory_space<vmem>> -> memref<1x2x128xi32, #tpu.memory_space<vmem>>
      %dma_start3A_94 = tpu.memref_squeeze %dma_start3A_93 : memref<1x2x128xi32, #tpu.memory_space<vmem>> -> memref<2x128xi32, #tpu.memory_space<vmem>>
      %dma_start3A_95 = arith.constant 0 : i32
      %dma_start3A_96 = arith.constant 0 : i32
      %dma_start3A_97 = tpu.memref_slice %arg3[%add3A_81, %dma_start3A_95, %dma_start3A_96] : memref<2528x2x128xi32, #tpu.memory_space<hbm>> -> memref<1x2x128xi32, #tpu.memory_space<hbm>>
      %dma_start3A_98 = tpu.memref_squeeze %dma_start3A_97 : memref<1x2x128xi32, #tpu.memory_space<hbm>> -> memref<2x128xi32, #tpu.memory_space<hbm>>
      tpu.enqueue_dma source(%dma_start3A_98 : memref<2x128xi32, #tpu.memory_space<hbm>>) target(%dma_start3A_94 : memref<2x128xi32, #tpu.memory_space<vmem>>) target_semaphore(%arg10 : memref<!tpu.dma_semaphore, #tpu.memory_space<semaphore_mem>>)
      %dma_wait3A = arith.constant 0 : i32
      %dma_wait3A_99 = arith.constant 1 : i32
      %dma_wait3A_100 = arith.constant 0 : i32
      %dma_wait3A_101 = arith.constant 0 : i32
      %dma_wait3A_102 = tpu.memref_slice %arg6[%dma_wait3A_99, %dma_wait3A_100, %dma_wait3A_101] : memref<4x2x128xi32, #tpu.memory_space<vmem>> -> memref<1x2x128xi32, #tpu.memory_space<vmem>>
      %dma_wait3A_103 = tpu.memref_squeeze %dma_wait3A_102 : memref<1x2x128xi32, #tpu.memory_space<vmem>> -> memref<2x128xi32, #tpu.memory_space<vmem>>
      %dma_wait3A_104 = arith.constant 0 : i32
      %dma_wait3A_105 = arith.constant 0 : i32
      %dma_wait3A_106 = tpu.memref_slice %arg3[%dma_wait3A, %dma_wait3A_104, %dma_wait3A_105] : memref<2528x2x128xi32, #tpu.memory_space<hbm>> -> memref<1x2x128xi32, #tpu.memory_space<hbm>>
      %dma_wait3A_107 = tpu.memref_squeeze %dma_wait3A_106 : memref<1x2x128xi32, #tpu.memory_space<hbm>> -> memref<2x128xi32, #tpu.memory_space<hbm>>
      %dma_wait3A_108 = arith.constant 0 : i32
      %dma_wait3A_109 = arith.constant 0 : i32
      %dma_wait3A_110 = tpu.memref_slice %arg6[%dma_wait3A_99, %dma_wait3A_108, %dma_wait3A_109] : memref<4x2x128xi32, #tpu.memory_space<vmem>> -> memref<1x2x128xi32, #tpu.memory_space<vmem>>
      %dma_wait3A_111 = tpu.memref_squeeze %dma_wait3A_110 : memref<1x2x128xi32, #tpu.memory_space<vmem>> -> memref<2x128xi32, #tpu.memory_space<vmem>>
      %dma_wait3A_112 = arith.constant 0 : i32
      %dma_wait3A_113 = arith.constant 0 : i32
      %dma_wait3A_114 = tpu.memref_slice %arg3[%dma_wait3A, %dma_wait3A_112, %dma_wait3A_113] : memref<2528x2x128xi32, #tpu.memory_space<hbm>> -> memref<1x2x128xi32, #tpu.memory_space<hbm>>
      %dma_wait3A_115 = tpu.memref_squeeze %dma_wait3A_114 : memref<1x2x128xi32, #tpu.memory_space<hbm>> -> memref<2x128xi32, #tpu.memory_space<hbm>>
      tpu.wait_dma2 semaphore(%arg10 : memref<!tpu.dma_semaphore, #tpu.memory_space<semaphore_mem>>) src(%dma_wait3A_115 : memref<2x128xi32, #tpu.memory_space<hbm>>) dst(%dma_wait3A_111 : memref<2x128xi32, #tpu.memory_space<vmem>>)
      %dma_start3A_116 = arith.constant 1 : i32
      %dma_start3A_117 = arith.constant 0 : i32
      %dma_start3A_118 = arith.constant 1 : i32
      %dma_start3A_119 = arith.constant 0 : i32
      %dma_start3A_120 = arith.constant 0 : i32
      %dma_start3A_121 = tpu.memref_slice %arg7[%dma_start3A_118, %dma_start3A_119, %dma_start3A_120] : memref<3x128x128xf32, #tpu.memory_space<vmem>> -> memref<1x128x128xf32, #tpu.memory_space<vmem>>
      %dma_start3A_122 = tpu.memref_squeeze %dma_start3A_121 : memref<1x128x128xf32, #tpu.memory_space<vmem>> -> memref<128x128xf32, #tpu.memory_space<vmem>>
      %dma_start3A_123 = arith.constant 0 : i32
      %dma_start3A_124 = tpu.memref_slice %arg6[%dma_start3A_116, %dma_start3A_117, %dma_start3A_123] : memref<4x2x128xi32, #tpu.memory_space<vmem>> -> memref<1x1x128xi32, #tpu.memory_space<vmem>>
      %dma_start3A_125 = tpu.memref_squeeze %dma_start3A_124 : memref<1x1x128xi32, #tpu.memory_space<vmem>> -> memref<128xi32, #tpu.memory_space<vmem>>
      %dma_start3A_126 = arith.constant 0 : i32
      %dma_start3A_127 = arith.constant 0 : i32
      %dma_start3A_128 = tpu.memref_slice %arg2[%dma_start3A_126, %dma_start3A_127] : memref<10000x128xf32, #tpu.memory_space<hbm>> -> memref<10000x128xf32, #tpu.memory_space<hbm>>
      tpu.enqueue_indirect_dma source(%dma_start3A_128 : memref<10000x128xf32, #tpu.memory_space<hbm>>) target(%dma_start3A_122 : memref<128x128xf32, #tpu.memory_space<vmem>>) offsets(%dma_start3A_125 : memref<128xi32, #tpu.memory_space<vmem>>) semaphore(%arg9 : memref<!tpu.dma_semaphore, #tpu.memory_space<semaphore_mem>>)
    } else {
    }
    %barrier3A = arith.constant 0 : index
    tpu.barrier barrier_id(%barrier3A)
    %sub3A = arith.constant 0 : i32
    %sub3A_13 = arith.subi %select_n3A_8, %sub3A : i32
    %sub3A_14 = arith.constant 1 : i32
    %sub3A_15 = arith.constant 1 : i32
    %sub3A_16 = arith.subi %sub3A_14, %sub3A_15 : i32
    %add3A_17 = arith.addi %sub3A_13, %sub3A_16 : i32
    %div3A = arith.constant 1 : i32
    %div3A_18 = arith.divsi %add3A_17, %div3A : i32
    %while3A = arith.constant 1 : i32
    %while3A_19 = arith.constant 0 : i32
    %while3A_20 = arith.constant 0 : i32
    %while3A_21 = arith.subi %div3A_18, %while3A_20 : i32
    %while3A_22 = arith.addi %while3A_20, %while3A_21 : i32
    %while3A_23 = arith.constant 1 : i32
    %while3A_24 = arith.divsi %while3A_21, %while3A_23 : i32
    %while3A_25 = arith.muli %while3A_24, %while3A_23 : i32
    %while3A_26 = arith.addi %while3A_20, %while3A_25 : i32
    %while3A_27 = arith.constant 1 : i32
    scf.for %while3A_30 = %while3A_20 to %while3A_26 step %while3A_27  : i32 {
      %mul3A_31 = arith.muli %while3A_30, %while3A : i32
      %add3A_32 = arith.addi %while3A_19, %mul3A_31 : i32
      %rem3A = arith.constant 3 : i32
      %rem3A_33 = arith.remsi %add3A_32, %rem3A : i32
      %rem3A_34 = arith.constant 4 : i32
      %rem3A_35 = arith.remsi %add3A_32, %rem3A_34 : i32
      %dma_wait3A = arith.constant 0 : i32
      %dma_wait3A_36 = arith.constant 0 : i32
      %dma_wait3A_37 = tpu.memref_slice %arg7[%rem3A_33, %dma_wait3A, %dma_wait3A_36] : memref<3x128x128xf32, #tpu.memory_space<vmem>> -> memref<1x128x128xf32, #tpu.memory_space<vmem>>
      %dma_wait3A_38 = tpu.memref_squeeze %dma_wait3A_37 : memref<1x128x128xf32, #tpu.memory_space<vmem>> -> memref<128x128xf32, #tpu.memory_space<vmem>>
      %dma_wait3A_39 = arith.constant 0 : i32
      %dma_wait3A_40 = arith.constant 0 : i32
      %dma_wait3A_41 = tpu.memref_slice %arg4[%dma_wait3A_39, %dma_wait3A_40] : memref<10112x128xf32, #tpu.memory_space<hbm>> -> memref<128x128xf32, #tpu.memory_space<hbm>>
      %dma_wait3A_42 = arith.constant 0 : i32
      %dma_wait3A_43 = arith.constant 0 : i32
      %dma_wait3A_44 = tpu.memref_slice %arg7[%rem3A_33, %dma_wait3A_42, %dma_wait3A_43] : memref<3x128x128xf32, #tpu.memory_space<vmem>> -> memref<1x128x128xf32, #tpu.memory_space<vmem>>
      %dma_wait3A_45 = tpu.memref_squeeze %dma_wait3A_44 : memref<1x128x128xf32, #tpu.memory_space<vmem>> -> memref<128x128xf32, #tpu.memory_space<vmem>>
      %dma_wait3A_46 = arith.constant 0 : i32
      %dma_wait3A_47 = arith.constant 0 : i32
      %dma_wait3A_48 = tpu.memref_slice %arg4[%dma_wait3A_46, %dma_wait3A_47] : memref<10112x128xf32, #tpu.memory_space<hbm>> -> memref<128x128xf32, #tpu.memory_space<hbm>>
      tpu.wait_dma2 semaphore(%arg9 : memref<!tpu.dma_semaphore, #tpu.memory_space<semaphore_mem>>) src(%dma_wait3A_48 : memref<128x128xf32, #tpu.memory_space<hbm>>) dst(%dma_wait3A_45 : memref<128x128xf32, #tpu.memory_space<vmem>>)
      %add3A_49 = arith.constant 2 : i32
      %add3A_50 = arith.addi %add3A_32, %add3A_49 : i32
      %lt3A = arith.cmpi slt, %add3A_50, %select_n3A_8 : i32
      %convert_element_type3A_51 = arith.extui %lt3A : i1 to i32
      %cond3A_52 = arith.constant 0 : i32
      %cond3A_53 = arith.cmpi ne, %convert_element_type3A_51, %cond3A_52 : i32
      scf.if %cond3A_53 {
        %add3A_60 = arith.constant 2 : i32
        %add3A_61 = arith.addi %add3A_32, %add3A_60 : i32
        %rem3A_62 = arith.constant 4 : i32
        %rem3A_63 = arith.remsi %add3A_61, %rem3A_62 : i32
        %dma_wait3A_64 = arith.constant 0 : i32
        %dma_wait3A_65 = arith.constant 0 : i32
        %dma_wait3A_66 = arith.constant 0 : i32
        %dma_wait3A_67 = tpu.memref_slice %arg6[%rem3A_63, %dma_wait3A_65, %dma_wait3A_66] : memref<4x2x128xi32, #tpu.memory_space<vmem>> -> memref<1x2x128xi32, #tpu.memory_space<vmem>>
        %dma_wait3A_68 = tpu.memref_squeeze %dma_wait3A_67 : memref<1x2x128xi32, #tpu.memory_space<vmem>> -> memref<2x128xi32, #tpu.memory_space<vmem>>
        %dma_wait3A_69 = arith.constant 0 : i32
        %dma_wait3A_70 = arith.constant 0 : i32
        %dma_wait3A_71 = tpu.memref_slice %arg3[%dma_wait3A_64, %dma_wait3A_69, %dma_wait3A_70] : memref<2528x2x128xi32, #tpu.memory_space<hbm>> -> memref<1x2x128xi32, #tpu.memory_space<hbm>>
        %dma_wait3A_72 = tpu.memref_squeeze %dma_wait3A_71 : memref<1x2x128xi32, #tpu.memory_space<hbm>> -> memref<2x128xi32, #tpu.memory_space<hbm>>
        %dma_wait3A_73 = arith.constant 0 : i32
        %dma_wait3A_74 = arith.constant 0 : i32
        %dma_wait3A_75 = tpu.memref_slice %arg6[%rem3A_63, %dma_wait3A_73, %dma_wait3A_74] : memref<4x2x128xi32, #tpu.memory_space<vmem>> -> memref<1x2x128xi32, #tpu.memory_space<vmem>>
        %dma_wait3A_76 = tpu.memref_squeeze %dma_wait3A_75 : memref<1x2x128xi32, #tpu.memory_space<vmem>> -> memref<2x128xi32, #tpu.memory_space<vmem>>
        %dma_wait3A_77 = arith.constant 0 : i32
        %dma_wait3A_78 = arith.constant 0 : i32
        %dma_wait3A_79 = tpu.memref_slice %arg3[%dma_wait3A_64, %dma_wait3A_77, %dma_wait3A_78] : memref<2528x2x128xi32, #tpu.memory_space<hbm>> -> memref<1x2x128xi32, #tpu.memory_space<hbm>>
        %dma_wait3A_80 = tpu.memref_squeeze %dma_wait3A_79 : memref<1x2x128xi32, #tpu.memory_space<hbm>> -> memref<2x128xi32, #tpu.memory_space<hbm>>
        tpu.wait_dma2 semaphore(%arg10 : memref<!tpu.dma_semaphore, #tpu.memory_space<semaphore_mem>>) src(%dma_wait3A_80 : memref<2x128xi32, #tpu.memory_space<hbm>>) dst(%dma_wait3A_76 : memref<2x128xi32, #tpu.memory_space<vmem>>)
        %add3A_81 = arith.constant 2 : i32
        %add3A_82 = arith.addi %add3A_32, %add3A_81 : i32
        %rem3A_83 = arith.constant 3 : i32
        %rem3A_84 = arith.remsi %add3A_82, %rem3A_83 : i32
        %dma_start3A = arith.constant 0 : i32
        %dma_start3A_85 = arith.constant 0 : i32
        %dma_start3A_86 = arith.constant 0 : i32
        %dma_start3A_87 = tpu.memref_slice %arg7[%rem3A_84, %dma_start3A_85, %dma_start3A_86] : memref<3x128x128xf32, #tpu.memory_space<vmem>> -> memref<1x128x128xf32, #tpu.memory_space<vmem>>
        %dma_start3A_88 = tpu.memref_squeeze %dma_start3A_87 : memref<1x128x128xf32, #tpu.memory_space<vmem>> -> memref<128x128xf32, #tpu.memory_space<vmem>>
        %dma_start3A_89 = arith.constant 0 : i32
        %dma_start3A_90 = tpu.memref_slice %arg6[%rem3A_63, %dma_start3A, %dma_start3A_89] : memref<4x2x128xi32, #tpu.memory_space<vmem>> -> memref<1x1x128xi32, #tpu.memory_space<vmem>>
        %dma_start3A_91 = tpu.memref_squeeze %dma_start3A_90 : memref<1x1x128xi32, #tpu.memory_space<vmem>> -> memref<128xi32, #tpu.memory_space<vmem>>
        %dma_start3A_92 = arith.constant 0 : i32
        %dma_start3A_93 = arith.constant 0 : i32
        %dma_start3A_94 = tpu.memref_slice %arg2[%dma_start3A_92, %dma_start3A_93] : memref<10000x128xf32, #tpu.memory_space<hbm>> -> memref<10000x128xf32, #tpu.memory_space<hbm>>
        tpu.enqueue_indirect_dma source(%dma_start3A_94 : memref<10000x128xf32, #tpu.memory_space<hbm>>) target(%dma_start3A_88 : memref<128x128xf32, #tpu.memory_space<vmem>>) offsets(%dma_start3A_91 : memref<128xi32, #tpu.memory_space<vmem>>) semaphore(%arg9 : memref<!tpu.dma_semaphore, #tpu.memory_space<semaphore_mem>>)
      } else {
      }
      %run_scoped3A = arith.constant 1 : i32
      "tpu.region"() ({
        %run_scoped3A_60 = tpu.sem_alloc : memref<!tpu.dma_semaphore, #tpu.memory_space<semaphore_mem>>
        %dma_start3A = arith.constant 0 : i32
        %dma_start3A_61 = arith.constant 0 : i32
        %dma_start3A_62 = tpu.memref_slice %arg7[%rem3A_33, %dma_start3A, %dma_start3A_61] : memref<3x128x128xf32, #tpu.memory_space<vmem>> -> memref<1x128x128xf32, #tpu.memory_space<vmem>>
        %dma_start3A_63 = tpu.memref_squeeze %dma_start3A_62 : memref<1x128x128xf32, #tpu.memory_space<vmem>> -> memref<128x128xf32, #tpu.memory_space<vmem>>
        %dma_start3A_64 = arith.constant 0 : i32
        %dma_start3A_65 = tpu.memref_slice %arg6[%rem3A_35, %run_scoped3A, %dma_start3A_64] : memref<4x2x128xi32, #tpu.memory_space<vmem>> -> memref<1x1x128xi32, #tpu.memory_space<vmem>>
        %dma_start3A_66 = tpu.memref_squeeze %dma_start3A_65 : memref<1x1x128xi32, #tpu.memory_space<vmem>> -> memref<128xi32, #tpu.memory_space<vmem>>
        %dma_start3A_67 = arith.constant 0 : i32
        %dma_start3A_68 = arith.constant 0 : i32
        %dma_start3A_69 = tpu.memref_slice %arg8[%dma_start3A_67, %dma_start3A_68] : memref<10112x128xf32, #tpu.memory_space<vmem_shared>> -> memref<10112x128xf32, #tpu.memory_space<vmem_shared>>
        tpu.enqueue_indirect_dma source(%dma_start3A_63 : memref<128x128xf32, #tpu.memory_space<vmem>>) target(%dma_start3A_69 : memref<10112x128xf32, #tpu.memory_space<vmem_shared>>) offsets(%dma_start3A_66 : memref<128xi32, #tpu.memory_space<vmem>>) semaphore(%run_scoped3A_60 : memref<!tpu.dma_semaphore, #tpu.memory_space<semaphore_mem>>) {add = true}
        %dma_wait3A_70 = arith.constant 0 : i32
        %dma_wait3A_71 = arith.constant 0 : i32
        %dma_wait3A_72 = tpu.memref_slice %arg7[%rem3A_33, %dma_wait3A_70, %dma_wait3A_71] : memref<3x128x128xf32, #tpu.memory_space<vmem>> -> memref<1x128x128xf32, #tpu.memory_space<vmem>>
        %dma_wait3A_73 = tpu.memref_squeeze %dma_wait3A_72 : memref<1x128x128xf32, #tpu.memory_space<vmem>> -> memref<128x128xf32, #tpu.memory_space<vmem>>
        %dma_wait3A_74 = arith.constant 0 : i32
        %dma_wait3A_75 = tpu.memref_slice %arg6[%rem3A_35, %run_scoped3A, %dma_wait3A_74] : memref<4x2x128xi32, #tpu.memory_space<vmem>> -> memref<1x1x128xi32, #tpu.memory_space<vmem>>
        %dma_wait3A_76 = tpu.memref_squeeze %dma_wait3A_75 : memref<1x1x128xi32, #tpu.memory_space<vmem>> -> memref<128xi32, #tpu.memory_space<vmem>>
        %dma_wait3A_77 = arith.constant 0 : i32
        %dma_wait3A_78 = arith.constant 0 : i32
        %dma_wait3A_79 = tpu.memref_slice %arg8[%dma_wait3A_77, %dma_wait3A_78] : memref<10112x128xf32, #tpu.memory_space<vmem_shared>> -> memref<10112x128xf32, #tpu.memory_space<vmem_shared>>
        tpu.wait_indirect_dma semaphore(%run_scoped3A_60 : memref<!tpu.dma_semaphore, #tpu.memory_space<semaphore_mem>>) src(%dma_wait3A_73 : memref<128x128xf32, #tpu.memory_space<vmem>>) dst(%dma_wait3A_79 : memref<10112x128xf32, #tpu.memory_space<vmem_shared>>)
        tpu.yield
      }) : () -> ()
      %add3A_54 = arith.constant 4 : i32
      %add3A_55 = arith.addi %add3A_32, %add3A_54 : i32
      %lt3A_56 = arith.cmpi slt, %add3A_55, %select_n3A_8 : i32
      %convert_element_type3A_57 = arith.extui %lt3A_56 : i1 to i32
      %cond3A_58 = arith.constant 0 : i32
      %cond3A_59 = arith.cmpi ne, %convert_element_type3A_57, %cond3A_58 : i32
      scf.if %cond3A_59 {
        %add3A_60 = arith.addi %select_n3A, %add3A_32 : i32
        %add3A_61 = arith.constant 4 : i32
        %add3A_62 = arith.addi %add3A_60, %add3A_61 : i32
        %dma_start3A = arith.constant 0 : i32
        %dma_start3A_63 = arith.constant 0 : i32
        %dma_start3A_64 = tpu.memref_slice %arg6[%rem3A_35, %dma_start3A, %dma_start3A_63] : memref<4x2x128xi32, #tpu.memory_space<vmem>> -> memref<1x2x128xi32, #tpu.memory_space<vmem>>
        %dma_start3A_65 = tpu.memref_squeeze %dma_start3A_64 : memref<1x2x128xi32, #tpu.memory_space<vmem>> -> memref<2x128xi32, #tpu.memory_space<vmem>>
        %dma_start3A_66 = arith.constant 0 : i32
        %dma_start3A_67 = arith.constant 0 : i32
        %dma_start3A_68 = tpu.memref_slice %arg3[%add3A_62, %dma_start3A_66, %dma_start3A_67] : memref<2528x2x128xi32, #tpu.memory_space<hbm>> -> memref<1x2x128xi32, #tpu.memory_space<hbm>>
        %dma_start3A_69 = tpu.memref_squeeze %dma_start3A_68 : memref<1x2x128xi32, #tpu.memory_space<hbm>> -> memref<2x128xi32, #tpu.memory_space<hbm>>
        %dma_start3A_70 = arith.constant 0 : i32
        %dma_start3A_71 = arith.constant 0 : i32
        %dma_start3A_72 = tpu.memref_slice %arg6[%rem3A_35, %dma_start3A_70, %dma_start3A_71] : memref<4x2x128xi32, #tpu.memory_space<vmem>> -> memref<1x2x128xi32, #tpu.memory_space<vmem>>
        %dma_start3A_73 = tpu.memref_squeeze %dma_start3A_72 : memref<1x2x128xi32, #tpu.memory_space<vmem>> -> memref<2x128xi32, #tpu.memory_space<vmem>>
        %dma_start3A_74 = arith.constant 0 : i32
        %dma_start3A_75 = arith.constant 0 : i32
        %dma_start3A_76 = tpu.memref_slice %arg3[%add3A_62, %dma_start3A_74, %dma_start3A_75] : memref<2528x2x128xi32, #tpu.memory_space<hbm>> -> memref<1x2x128xi32, #tpu.memory_space<hbm>>
        %dma_start3A_77 = tpu.memref_squeeze %dma_start3A_76 : memref<1x2x128xi32, #tpu.memory_space<hbm>> -> memref<2x128xi32, #tpu.memory_space<hbm>>
        tpu.enqueue_dma source(%dma_start3A_77 : memref<2x128xi32, #tpu.memory_space<hbm>>) target(%dma_start3A_73 : memref<2x128xi32, #tpu.memory_space<vmem>>) target_semaphore(%arg10 : memref<!tpu.dma_semaphore, #tpu.memory_space<semaphore_mem>>)
      } else {
      }
    }
    %while3A_28 = arith.constant 1 : i32
    scf.for %while3A_30 = %while3A_26 to %while3A_22 step %while3A_28  : i32 {
      %mul3A_31 = arith.muli %while3A_30, %while3A : i32
      %add3A_32 = arith.addi %while3A_19, %mul3A_31 : i32
      %rem3A = arith.constant 3 : i32
      %rem3A_33 = arith.remsi %add3A_32, %rem3A : i32
      %rem3A_34 = arith.constant 4 : i32
      %rem3A_35 = arith.remsi %add3A_32, %rem3A_34 : i32
      %dma_wait3A = arith.constant 0 : i32
      %dma_wait3A_36 = arith.constant 0 : i32
      %dma_wait3A_37 = tpu.memref_slice %arg7[%rem3A_33, %dma_wait3A, %dma_wait3A_36] : memref<3x128x128xf32, #tpu.memory_space<vmem>> -> memref<1x128x128xf32, #tpu.memory_space<vmem>>
      %dma_wait3A_38 = tpu.memref_squeeze %dma_wait3A_37 : memref<1x128x128xf32, #tpu.memory_space<vmem>> -> memref<128x128xf32, #tpu.memory_space<vmem>>
      %dma_wait3A_39 = arith.constant 0 : i32
      %dma_wait3A_40 = arith.constant 0 : i32
      %dma_wait3A_41 = tpu.memref_slice %arg4[%dma_wait3A_39, %dma_wait3A_40] : memref<10112x128xf32, #tpu.memory_space<hbm>> -> memref<128x128xf32, #tpu.memory_space<hbm>>
      %dma_wait3A_42 = arith.constant 0 : i32
      %dma_wait3A_43 = arith.constant 0 : i32
      %dma_wait3A_44 = tpu.memref_slice %arg7[%rem3A_33, %dma_wait3A_42, %dma_wait3A_43] : memref<3x128x128xf32, #tpu.memory_space<vmem>> -> memref<1x128x128xf32, #tpu.memory_space<vmem>>
      %dma_wait3A_45 = tpu.memref_squeeze %dma_wait3A_44 : memref<1x128x128xf32, #tpu.memory_space<vmem>> -> memref<128x128xf32, #tpu.memory_space<vmem>>
      %dma_wait3A_46 = arith.constant 0 : i32
      %dma_wait3A_47 = arith.constant 0 : i32
      %dma_wait3A_48 = tpu.memref_slice %arg4[%dma_wait3A_46, %dma_wait3A_47] : memref<10112x128xf32, #tpu.memory_space<hbm>> -> memref<128x128xf32, #tpu.memory_space<hbm>>
      tpu.wait_dma2 semaphore(%arg9 : memref<!tpu.dma_semaphore, #tpu.memory_space<semaphore_mem>>) src(%dma_wait3A_48 : memref<128x128xf32, #tpu.memory_space<hbm>>) dst(%dma_wait3A_45 : memref<128x128xf32, #tpu.memory_space<vmem>>)
      %add3A_49 = arith.constant 2 : i32
      %add3A_50 = arith.addi %add3A_32, %add3A_49 : i32
      %lt3A = arith.cmpi slt, %add3A_50, %select_n3A_8 : i32
      %convert_element_type3A_51 = arith.extui %lt3A : i1 to i32
      %cond3A_52 = arith.constant 0 : i32
      %cond3A_53 = arith.cmpi ne, %convert_element_type3A_51, %cond3A_52 : i32
      scf.if %cond3A_53 {
        %add3A_60 = arith.constant 2 : i32
        %add3A_61 = arith.addi %add3A_32, %add3A_60 : i32
        %rem3A_62 = arith.constant 4 : i32
        %rem3A_63 = arith.remsi %add3A_61, %rem3A_62 : i32
        %dma_wait3A_64 = arith.constant 0 : i32
        %dma_wait3A_65 = arith.constant 0 : i32
        %dma_wait3A_66 = arith.constant 0 : i32
        %dma_wait3A_67 = tpu.memref_slice %arg6[%rem3A_63, %dma_wait3A_65, %dma_wait3A_66] : memref<4x2x128xi32, #tpu.memory_space<vmem>> -> memref<1x2x128xi32, #tpu.memory_space<vmem>>
        %dma_wait3A_68 = tpu.memref_squeeze %dma_wait3A_67 : memref<1x2x128xi32, #tpu.memory_space<vmem>> -> memref<2x128xi32, #tpu.memory_space<vmem>>
        %dma_wait3A_69 = arith.constant 0 : i32
        %dma_wait3A_70 = arith.constant 0 : i32
        %dma_wait3A_71 = tpu.memref_slice %arg3[%dma_wait3A_64, %dma_wait3A_69, %dma_wait3A_70] : memref<2528x2x128xi32, #tpu.memory_space<hbm>> -> memref<1x2x128xi32, #tpu.memory_space<hbm>>
        %dma_wait3A_72 = tpu.memref_squeeze %dma_wait3A_71 : memref<1x2x128xi32, #tpu.memory_space<hbm>> -> memref<2x128xi32, #tpu.memory_space<hbm>>
        %dma_wait3A_73 = arith.constant 0 : i32
        %dma_wait3A_74 = arith.constant 0 : i32
        %dma_wait3A_75 = tpu.memref_slice %arg6[%rem3A_63, %dma_wait3A_73, %dma_wait3A_74] : memref<4x2x128xi32, #tpu.memory_space<vmem>> -> memref<1x2x128xi32, #tpu.memory_space<vmem>>
        %dma_wait3A_76 = tpu.memref_squeeze %dma_wait3A_75 : memref<1x2x128xi32, #tpu.memory_space<vmem>> -> memref<2x128xi32, #tpu.memory_space<vmem>>
        %dma_wait3A_77 = arith.constant 0 : i32
        %dma_wait3A_78 = arith.constant 0 : i32
        %dma_wait3A_79 = tpu.memref_slice %arg3[%dma_wait3A_64, %dma_wait3A_77, %dma_wait3A_78] : memref<2528x2x128xi32, #tpu.memory_space<hbm>> -> memref<1x2x128xi32, #tpu.memory_space<hbm>>
        %dma_wait3A_80 = tpu.memref_squeeze %dma_wait3A_79 : memref<1x2x128xi32, #tpu.memory_space<hbm>> -> memref<2x128xi32, #tpu.memory_space<hbm>>
        tpu.wait_dma2 semaphore(%arg10 : memref<!tpu.dma_semaphore, #tpu.memory_space<semaphore_mem>>) src(%dma_wait3A_80 : memref<2x128xi32, #tpu.memory_space<hbm>>) dst(%dma_wait3A_76 : memref<2x128xi32, #tpu.memory_space<vmem>>)
        %add3A_81 = arith.constant 2 : i32
        %add3A_82 = arith.addi %add3A_32, %add3A_81 : i32
        %rem3A_83 = arith.constant 3 : i32
        %rem3A_84 = arith.remsi %add3A_82, %rem3A_83 : i32
        %dma_start3A = arith.constant 0 : i32
        %dma_start3A_85 = arith.constant 0 : i32
        %dma_start3A_86 = arith.constant 0 : i32
        %dma_start3A_87 = tpu.memref_slice %arg7[%rem3A_84, %dma_start3A_85, %dma_start3A_86] : memref<3x128x128xf32, #tpu.memory_space<vmem>> -> memref<1x128x128xf32, #tpu.memory_space<vmem>>
        %dma_start3A_88 = tpu.memref_squeeze %dma_start3A_87 : memref<1x128x128xf32, #tpu.memory_space<vmem>> -> memref<128x128xf32, #tpu.memory_space<vmem>>
        %dma_start3A_89 = arith.constant 0 : i32
        %dma_start3A_90 = tpu.memref_slice %arg6[%rem3A_63, %dma_start3A, %dma_start3A_89] : memref<4x2x128xi32, #tpu.memory_space<vmem>> -> memref<1x1x128xi32, #tpu.memory_space<vmem>>
        %dma_start3A_91 = tpu.memref_squeeze %dma_start3A_90 : memref<1x1x128xi32, #tpu.memory_space<vmem>> -> memref<128xi32, #tpu.memory_space<vmem>>
        %dma_start3A_92 = arith.constant 0 : i32
        %dma_start3A_93 = arith.constant 0 : i32
        %dma_start3A_94 = tpu.memref_slice %arg2[%dma_start3A_92, %dma_start3A_93] : memref<10000x128xf32, #tpu.memory_space<hbm>> -> memref<10000x128xf32, #tpu.memory_space<hbm>>
        tpu.enqueue_indirect_dma source(%dma_start3A_94 : memref<10000x128xf32, #tpu.memory_space<hbm>>) target(%dma_start3A_88 : memref<128x128xf32, #tpu.memory_space<vmem>>) offsets(%dma_start3A_91 : memref<128xi32, #tpu.memory_space<vmem>>) semaphore(%arg9 : memref<!tpu.dma_semaphore, #tpu.memory_space<semaphore_mem>>)
      } else {
      }
      %run_scoped3A = arith.constant 1 : i32
      "tpu.region"() ({
        %run_scoped3A_60 = tpu.sem_alloc : memref<!tpu.dma_semaphore, #tpu.memory_space<semaphore_mem>>
        %dma_start3A = arith.constant 0 : i32
        %dma_start3A_61 = arith.constant 0 : i32
        %dma_start3A_62 = tpu.memref_slice %arg7[%rem3A_33, %dma_start3A, %dma_start3A_61] : memref<3x128x128xf32, #tpu.memory_space<vmem>> -> memref<1x128x128xf32, #tpu.memory_space<vmem>>
        %dma_start3A_63 = tpu.memref_squeeze %dma_start3A_62 : memref<1x128x128xf32, #tpu.memory_space<vmem>> -> memref<128x128xf32, #tpu.memory_space<vmem>>
        %dma_start3A_64 = arith.constant 0 : i32
        %dma_start3A_65 = tpu.memref_slice %arg6[%rem3A_35, %run_scoped3A, %dma_start3A_64] : memref<4x2x128xi32, #tpu.memory_space<vmem>> -> memref<1x1x128xi32, #tpu.memory_space<vmem>>
        %dma_start3A_66 = tpu.memref_squeeze %dma_start3A_65 : memref<1x1x128xi32, #tpu.memory_space<vmem>> -> memref<128xi32, #tpu.memory_space<vmem>>
        %dma_start3A_67 = arith.constant 0 : i32
        %dma_start3A_68 = arith.constant 0 : i32
        %dma_start3A_69 = tpu.memref_slice %arg8[%dma_start3A_67, %dma_start3A_68] : memref<10112x128xf32, #tpu.memory_space<vmem_shared>> -> memref<10112x128xf32, #tpu.memory_space<vmem_shared>>
        tpu.enqueue_indirect_dma source(%dma_start3A_63 : memref<128x128xf32, #tpu.memory_space<vmem>>) target(%dma_start3A_69 : memref<10112x128xf32, #tpu.memory_space<vmem_shared>>) offsets(%dma_start3A_66 : memref<128xi32, #tpu.memory_space<vmem>>) semaphore(%run_scoped3A_60 : memref<!tpu.dma_semaphore, #tpu.memory_space<semaphore_mem>>) {add = true}
        %dma_wait3A_70 = arith.constant 0 : i32
        %dma_wait3A_71 = arith.constant 0 : i32
        %dma_wait3A_72 = tpu.memref_slice %arg7[%rem3A_33, %dma_wait3A_70, %dma_wait3A_71] : memref<3x128x128xf32, #tpu.memory_space<vmem>> -> memref<1x128x128xf32, #tpu.memory_space<vmem>>
        %dma_wait3A_73 = tpu.memref_squeeze %dma_wait3A_72 : memref<1x128x128xf32, #tpu.memory_space<vmem>> -> memref<128x128xf32, #tpu.memory_space<vmem>>
        %dma_wait3A_74 = arith.constant 0 : i32
        %dma_wait3A_75 = tpu.memref_slice %arg6[%rem3A_35, %run_scoped3A, %dma_wait3A_74] : memref<4x2x128xi32, #tpu.memory_space<vmem>> -> memref<1x1x128xi32, #tpu.memory_space<vmem>>
        %dma_wait3A_76 = tpu.memref_squeeze %dma_wait3A_75 : memref<1x1x128xi32, #tpu.memory_space<vmem>> -> memref<128xi32, #tpu.memory_space<vmem>>
        %dma_wait3A_77 = arith.constant 0 : i32
        %dma_wait3A_78 = arith.constant 0 : i32
        %dma_wait3A_79 = tpu.memref_slice %arg8[%dma_wait3A_77, %dma_wait3A_78] : memref<10112x128xf32, #tpu.memory_space<vmem_shared>> -> memref<10112x128xf32, #tpu.memory_space<vmem_shared>>
        tpu.wait_indirect_dma semaphore(%run_scoped3A_60 : memref<!tpu.dma_semaphore, #tpu.memory_space<semaphore_mem>>) src(%dma_wait3A_73 : memref<128x128xf32, #tpu.memory_space<vmem>>) dst(%dma_wait3A_79 : memref<10112x128xf32, #tpu.memory_space<vmem_shared>>)
        tpu.yield
      }) : () -> ()
      %add3A_54 = arith.constant 4 : i32
      %add3A_55 = arith.addi %add3A_32, %add3A_54 : i32
      %lt3A_56 = arith.cmpi slt, %add3A_55, %select_n3A_8 : i32
      %convert_element_type3A_57 = arith.extui %lt3A_56 : i1 to i32
      %cond3A_58 = arith.constant 0 : i32
      %cond3A_59 = arith.cmpi ne, %convert_element_type3A_57, %cond3A_58 : i32
      scf.if %cond3A_59 {
        %add3A_60 = arith.addi %select_n3A, %add3A_32 : i32
        %add3A_61 = arith.constant 4 : i32
        %add3A_62 = arith.addi %add3A_60, %add3A_61 : i32
        %dma_start3A = arith.constant 0 : i32
        %dma_start3A_63 = arith.constant 0 : i32
        %dma_start3A_64 = tpu.memref_slice %arg6[%rem3A_35, %dma_start3A, %dma_start3A_63] : memref<4x2x128xi32, #tpu.memory_space<vmem>> -> memref<1x2x128xi32, #tpu.memory_space<vmem>>
        %dma_start3A_65 = tpu.memref_squeeze %dma_start3A_64 : memref<1x2x128xi32, #tpu.memory_space<vmem>> -> memref<2x128xi32, #tpu.memory_space<vmem>>
        %dma_start3A_66 = arith.constant 0 : i32
        %dma_start3A_67 = arith.constant 0 : i32
        %dma_start3A_68 = tpu.memref_slice %arg3[%add3A_62, %dma_start3A_66, %dma_start3A_67] : memref<2528x2x128xi32, #tpu.memory_space<hbm>> -> memref<1x2x128xi32, #tpu.memory_space<hbm>>
        %dma_start3A_69 = tpu.memref_squeeze %dma_start3A_68 : memref<1x2x128xi32, #tpu.memory_space<hbm>> -> memref<2x128xi32, #tpu.memory_space<hbm>>
        %dma_start3A_70 = arith.constant 0 : i32
        %dma_start3A_71 = arith.constant 0 : i32
        %dma_start3A_72 = tpu.memref_slice %arg6[%rem3A_35, %dma_start3A_70, %dma_start3A_71] : memref<4x2x128xi32, #tpu.memory_space<vmem>> -> memref<1x2x128xi32, #tpu.memory_space<vmem>>
        %dma_start3A_73 = tpu.memref_squeeze %dma_start3A_72 : memref<1x2x128xi32, #tpu.memory_space<vmem>> -> memref<2x128xi32, #tpu.memory_space<vmem>>
        %dma_start3A_74 = arith.constant 0 : i32
        %dma_start3A_75 = arith.constant 0 : i32
        %dma_start3A_76 = tpu.memref_slice %arg3[%add3A_62, %dma_start3A_74, %dma_start3A_75] : memref<2528x2x128xi32, #tpu.memory_space<hbm>> -> memref<1x2x128xi32, #tpu.memory_space<hbm>>
        %dma_start3A_77 = tpu.memref_squeeze %dma_start3A_76 : memref<1x2x128xi32, #tpu.memory_space<hbm>> -> memref<2x128xi32, #tpu.memory_space<hbm>>
        tpu.enqueue_dma source(%dma_start3A_77 : memref<2x128xi32, #tpu.memory_space<hbm>>) target(%dma_start3A_73 : memref<2x128xi32, #tpu.memory_space<vmem>>) target_semaphore(%arg10 : memref<!tpu.dma_semaphore, #tpu.memory_space<semaphore_mem>>)
      } else {
      }
    }
    %barrier3A_29 = arith.constant 0 : index
    tpu.barrier barrier_id(%barrier3A_29)
    "tpu.region"() ({
      %run_scoped3A = tpu.sem_alloc : memref<!tpu.dma_semaphore, #tpu.memory_space<semaphore_mem>>
      %dma_start3A = arith.constant 0 : i32
      %dma_start3A_30 = tpu.memref_slice %arg5[%arg0, %mul3A_10, %dma_start3A] : memref<2x10112x128xf32, #tpu.memory_space<hbm>> -> memref<1x632x128xf32, #tpu.memory_space<hbm>>
      %dma_start3A_31 = tpu.memref_squeeze %dma_start3A_30 : memref<1x632x128xf32, #tpu.memory_space<hbm>> -> memref<632x128xf32, #tpu.memory_space<hbm>>
      %dma_start3A_32 = arith.constant 0 : i32
      %dma_start3A_33 = tpu.memref_slice %arg8[%mul3A_10, %dma_start3A_32] : memref<10112x128xf32, #tpu.memory_space<vmem_shared>> -> memref<632x128xf32, #tpu.memory_space<vmem_shared>>
      tpu.enqueue_dma source(%dma_start3A_33 : memref<632x128xf32, #tpu.memory_space<vmem_shared>>) target(%dma_start3A_31 : memref<632x128xf32, #tpu.memory_space<hbm>>) target_semaphore(%run_scoped3A : memref<!tpu.dma_semaphore, #tpu.memory_space<semaphore_mem>>)
      %dma_wait3A = arith.constant 0 : i32
      %dma_wait3A_34 = tpu.memref_slice %arg5[%arg0, %mul3A_10, %dma_wait3A] : memref<2x10112x128xf32, #tpu.memory_space<hbm>> -> memref<1x632x128xf32, #tpu.memory_space<hbm>>
      %dma_wait3A_35 = tpu.memref_squeeze %dma_wait3A_34 : memref<1x632x128xf32, #tpu.memory_space<hbm>> -> memref<632x128xf32, #tpu.memory_space<hbm>>
      %dma_wait3A_36 = arith.constant 0 : i32
      %dma_wait3A_37 = tpu.memref_slice %arg8[%mul3A_10, %dma_wait3A_36] : memref<10112x128xf32, #tpu.memory_space<vmem_shared>> -> memref<632x128xf32, #tpu.memory_space<vmem_shared>>
      tpu.wait_dma2 semaphore(%run_scoped3A : memref<!tpu.dma_semaphore, #tpu.memory_space<semaphore_mem>>) src(%dma_wait3A_37 : memref<632x128xf32, #tpu.memory_space<vmem_shared>>) dst(%dma_wait3A_35 : memref<632x128xf32, #tpu.memory_space<hbm>>)
      tpu.yield
    }) : () -> ()
    return
  }
}

#map = affine_map<(d0, d1) -> (0, 0, 0)>
#map1 = affine_map<(d0, d1) -> (0)>
module attributes {stable_mosaic.version = 14 : i64} {
  func.func @_sc_degree(%arg0: i32, %arg1: i32, %arg2: memref<2528x2x128xi32, #tpu.memory_space<hbm>>, %arg3: memref<128xf32, #tpu.memory_space<hbm>>, %arg4: memref<10240xf32, #tpu.memory_space<hbm>>, %arg5: memref<2x1x10240xf32, #tpu.memory_space<hbm>>, %arg6: memref<79x2x128xi32, #tpu.memory_space<vmem>>, %arg7: memref<128xf32, #tpu.memory_space<vmem>>, %arg8: memref<10240xf32, #tpu.memory_space<vmem_shared>>) attributes {dimension_semantics = [#tpu.dimension_semantics<core_parallel>, #tpu.dimension_semantics<subcore_parallel>], iteration_bounds = array<i64: 2, 16>, scalar_prefetch = 0 : i64, scratch_operands = 3 : i64, tpu.core_type = #tpu.core_type<sc_vector_subcore>, window_params = [{transform_indices = #map}, {transform_indices = #map1}, {transform_indices = #map1}, {transform_indices = #map}]} {
    %eq3A = arith.constant 0 : i32
    %eq3A_0 = arith.cmpi eq, %arg0, %eq3A : i32
    %mul3A = arith.constant 79 : i32
    %mul3A_1 = arith.muli %arg1, %mul3A : i32
    %mul3A_2 = arith.constant 79 : i32
    %mul3A_3 = arith.muli %arg1, %mul3A_2 : i32
    %add3A = arith.constant 1264 : i32
    %add3A_4 = arith.addi %add3A, %mul3A_3 : i32
    %select_n3A = arith.select %eq3A_0, %mul3A_1, %add3A_4 : i32
    %eq3A_5 = arith.constant 0 : i32
    %eq3A_6 = arith.cmpi eq, %arg0, %eq3A_5 : i32
    %jit3A = arith.constant 79 : i32
    %jit3A_7 = arith.constant 79 : i32
    %select_n3A_8 = arith.select %eq3A_6, %jit3A, %jit3A_7 : i32
    %mul3A_9 = arith.constant 640 : i32
    %mul3A_10 = arith.muli %arg1, %mul3A_9 : i32
    "tpu.region"() ({
      %run_scoped3A_28 = tpu.sem_alloc : memref<!tpu.dma_semaphore, #tpu.memory_space<semaphore_mem>>
      %dma_start3A = tpu.memref_slice %arg8[%mul3A_10] : memref<10240xf32, #tpu.memory_space<vmem_shared>> -> memref<640xf32, #tpu.memory_space<vmem_shared>>
      %dma_start3A_29 = tpu.memref_slice %arg4[%mul3A_10] : memref<10240xf32, #tpu.memory_space<hbm>> -> memref<640xf32, #tpu.memory_space<hbm>>
      tpu.enqueue_dma source(%dma_start3A_29 : memref<640xf32, #tpu.memory_space<hbm>>) target(%dma_start3A : memref<640xf32, #tpu.memory_space<vmem_shared>>) target_semaphore(%run_scoped3A_28 : memref<!tpu.dma_semaphore, #tpu.memory_space<semaphore_mem>>)
      %dma_wait3A = tpu.memref_slice %arg8[%mul3A_10] : memref<10240xf32, #tpu.memory_space<vmem_shared>> -> memref<640xf32, #tpu.memory_space<vmem_shared>>
      %dma_wait3A_30 = tpu.memref_slice %arg4[%mul3A_10] : memref<10240xf32, #tpu.memory_space<hbm>> -> memref<640xf32, #tpu.memory_space<hbm>>
      tpu.wait_dma2 semaphore(%run_scoped3A_28 : memref<!tpu.dma_semaphore, #tpu.memory_space<semaphore_mem>>) src(%dma_wait3A_30 : memref<640xf32, #tpu.memory_space<hbm>>) dst(%dma_wait3A : memref<640xf32, #tpu.memory_space<vmem_shared>>)
      tpu.yield
    }) : () -> ()
    "tpu.region"() ({
      %run_scoped3A_28 = tpu.sem_alloc : memref<!tpu.dma_semaphore, #tpu.memory_space<semaphore_mem>>
      %dma_start3A = arith.constant 0 : i32
      %dma_start3A_29 = arith.constant 0 : i32
      %dma_start3A_30 = tpu.memref_slice %arg2[%select_n3A, %dma_start3A, %dma_start3A_29] : memref<2528x2x128xi32, #tpu.memory_space<hbm>> -> memref<79x2x128xi32, #tpu.memory_space<hbm>>
      %dma_start3A_31 = arith.constant 0 : i32
      %dma_start3A_32 = arith.constant 0 : i32
      %dma_start3A_33 = tpu.memref_slice %arg2[%select_n3A, %dma_start3A_31, %dma_start3A_32] : memref<2528x2x128xi32, #tpu.memory_space<hbm>> -> memref<79x2x128xi32, #tpu.memory_space<hbm>>
      tpu.enqueue_dma source(%dma_start3A_33 : memref<79x2x128xi32, #tpu.memory_space<hbm>>) target(%arg6 : memref<79x2x128xi32, #tpu.memory_space<vmem>>) target_semaphore(%run_scoped3A_28 : memref<!tpu.dma_semaphore, #tpu.memory_space<semaphore_mem>>)
      %dma_wait3A = arith.constant 0 : i32
      %dma_wait3A_34 = arith.constant 0 : i32
      %dma_wait3A_35 = tpu.memref_slice %arg2[%select_n3A, %dma_wait3A, %dma_wait3A_34] : memref<2528x2x128xi32, #tpu.memory_space<hbm>> -> memref<79x2x128xi32, #tpu.memory_space<hbm>>
      %dma_wait3A_36 = arith.constant 0 : i32
      %dma_wait3A_37 = arith.constant 0 : i32
      %dma_wait3A_38 = tpu.memref_slice %arg2[%select_n3A, %dma_wait3A_36, %dma_wait3A_37] : memref<2528x2x128xi32, #tpu.memory_space<hbm>> -> memref<79x2x128xi32, #tpu.memory_space<hbm>>
      tpu.wait_dma2 semaphore(%run_scoped3A_28 : memref<!tpu.dma_semaphore, #tpu.memory_space<semaphore_mem>>) src(%dma_wait3A_38 : memref<79x2x128xi32, #tpu.memory_space<hbm>>) dst(%arg6 : memref<79x2x128xi32, #tpu.memory_space<vmem>>)
      tpu.yield
    }) : () -> ()
    "tpu.region"() ({
      %run_scoped3A_28 = tpu.sem_alloc : memref<!tpu.dma_semaphore, #tpu.memory_space<semaphore_mem>>
      tpu.enqueue_dma source(%arg3 : memref<128xf32, #tpu.memory_space<hbm>>) target(%arg7 : memref<128xf32, #tpu.memory_space<vmem>>) target_semaphore(%run_scoped3A_28 : memref<!tpu.dma_semaphore, #tpu.memory_space<semaphore_mem>>)
      tpu.wait_dma2 semaphore(%run_scoped3A_28 : memref<!tpu.dma_semaphore, #tpu.memory_space<semaphore_mem>>) src(%arg3 : memref<128xf32, #tpu.memory_space<hbm>>) dst(%arg7 : memref<128xf32, #tpu.memory_space<vmem>>)
      tpu.yield
    }) : () -> ()
    %barrier3A = arith.constant 0 : index
    tpu.barrier barrier_id(%barrier3A)
    %sub3A = arith.constant 0 : i32
    %sub3A_11 = arith.subi %select_n3A_8, %sub3A : i32
    %sub3A_12 = arith.constant 1 : i32
    %sub3A_13 = arith.constant 1 : i32
    %sub3A_14 = arith.subi %sub3A_12, %sub3A_13 : i32
    %add3A_15 = arith.addi %sub3A_11, %sub3A_14 : i32
    %div3A = arith.constant 1 : i32
    %div3A_16 = arith.divsi %add3A_15, %div3A : i32
    %while3A = arith.constant 1 : i32
    %while3A_17 = arith.constant 0 : i32
    %while3A_18 = arith.constant 0 : i32
    %while3A_19 = arith.subi %div3A_16, %while3A_18 : i32
    %while3A_20 = arith.addi %while3A_18, %while3A_19 : i32
    %while3A_21 = arith.constant 1 : i32
    %while3A_22 = arith.divsi %while3A_19, %while3A_21 : i32
    %while3A_23 = arith.muli %while3A_22, %while3A_21 : i32
    %while3A_24 = arith.addi %while3A_18, %while3A_23 : i32
    %while3A_25 = arith.constant 1 : i32
    scf.for %while3A_28 = %while3A_18 to %while3A_24 step %while3A_25  : i32 {
      %mul3A_29 = arith.muli %while3A_28, %while3A : i32
      %add3A_30 = arith.addi %while3A_17, %mul3A_29 : i32
      %run_scoped3A_31 = arith.constant 1 : i32
      "tpu.region"() ({
        %run_scoped3A_32 = tpu.sem_alloc : memref<!tpu.dma_semaphore, #tpu.memory_space<semaphore_mem>>
        %dma_start3A = arith.constant 0 : i32
        %dma_start3A_33 = tpu.memref_slice %arg6[%add3A_30, %run_scoped3A_31, %dma_start3A] : memref<79x2x128xi32, #tpu.memory_space<vmem>> -> memref<1x1x128xi32, #tpu.memory_space<vmem>>
        %dma_start3A_34 = tpu.memref_squeeze %dma_start3A_33 : memref<1x1x128xi32, #tpu.memory_space<vmem>> -> memref<128xi32, #tpu.memory_space<vmem>>
        %dma_start3A_35 = arith.constant 0 : i32
        %dma_start3A_36 = tpu.memref_slice %arg8[%dma_start3A_35] : memref<10240xf32, #tpu.memory_space<vmem_shared>> -> memref<10240xf32, #tpu.memory_space<vmem_shared>>
        tpu.enqueue_indirect_dma source(%arg7 : memref<128xf32, #tpu.memory_space<vmem>>) target(%dma_start3A_36 : memref<10240xf32, #tpu.memory_space<vmem_shared>>) offsets(%dma_start3A_34 : memref<128xi32, #tpu.memory_space<vmem>>) semaphore(%run_scoped3A_32 : memref<!tpu.dma_semaphore, #tpu.memory_space<semaphore_mem>>) {add = true}
        %dma_wait3A = arith.constant 0 : i32
        %dma_wait3A_37 = tpu.memref_slice %arg6[%add3A_30, %run_scoped3A_31, %dma_wait3A] : memref<79x2x128xi32, #tpu.memory_space<vmem>> -> memref<1x1x128xi32, #tpu.memory_space<vmem>>
        %dma_wait3A_38 = tpu.memref_squeeze %dma_wait3A_37 : memref<1x1x128xi32, #tpu.memory_space<vmem>> -> memref<128xi32, #tpu.memory_space<vmem>>
        %dma_wait3A_39 = arith.constant 0 : i32
        %dma_wait3A_40 = tpu.memref_slice %arg8[%dma_wait3A_39] : memref<10240xf32, #tpu.memory_space<vmem_shared>> -> memref<10240xf32, #tpu.memory_space<vmem_shared>>
        tpu.wait_indirect_dma semaphore(%run_scoped3A_32 : memref<!tpu.dma_semaphore, #tpu.memory_space<semaphore_mem>>) src(%arg7 : memref<128xf32, #tpu.memory_space<vmem>>) dst(%dma_wait3A_40 : memref<10240xf32, #tpu.memory_space<vmem_shared>>)
        tpu.yield
      }) : () -> ()
    }
    %while3A_26 = arith.constant 1 : i32
    scf.for %while3A_28 = %while3A_24 to %while3A_20 step %while3A_26  : i32 {
      %mul3A_29 = arith.muli %while3A_28, %while3A : i32
      %add3A_30 = arith.addi %while3A_17, %mul3A_29 : i32
      %run_scoped3A_31 = arith.constant 1 : i32
      "tpu.region"() ({
        %run_scoped3A_32 = tpu.sem_alloc : memref<!tpu.dma_semaphore, #tpu.memory_space<semaphore_mem>>
        %dma_start3A = arith.constant 0 : i32
        %dma_start3A_33 = tpu.memref_slice %arg6[%add3A_30, %run_scoped3A_31, %dma_start3A] : memref<79x2x128xi32, #tpu.memory_space<vmem>> -> memref<1x1x128xi32, #tpu.memory_space<vmem>>
        %dma_start3A_34 = tpu.memref_squeeze %dma_start3A_33 : memref<1x1x128xi32, #tpu.memory_space<vmem>> -> memref<128xi32, #tpu.memory_space<vmem>>
        %dma_start3A_35 = arith.constant 0 : i32
        %dma_start3A_36 = tpu.memref_slice %arg8[%dma_start3A_35] : memref<10240xf32, #tpu.memory_space<vmem_shared>> -> memref<10240xf32, #tpu.memory_space<vmem_shared>>
        tpu.enqueue_indirect_dma source(%arg7 : memref<128xf32, #tpu.memory_space<vmem>>) target(%dma_start3A_36 : memref<10240xf32, #tpu.memory_space<vmem_shared>>) offsets(%dma_start3A_34 : memref<128xi32, #tpu.memory_space<vmem>>) semaphore(%run_scoped3A_32 : memref<!tpu.dma_semaphore, #tpu.memory_space<semaphore_mem>>) {add = true}
        %dma_wait3A = arith.constant 0 : i32
        %dma_wait3A_37 = tpu.memref_slice %arg6[%add3A_30, %run_scoped3A_31, %dma_wait3A] : memref<79x2x128xi32, #tpu.memory_space<vmem>> -> memref<1x1x128xi32, #tpu.memory_space<vmem>>
        %dma_wait3A_38 = tpu.memref_squeeze %dma_wait3A_37 : memref<1x1x128xi32, #tpu.memory_space<vmem>> -> memref<128xi32, #tpu.memory_space<vmem>>
        %dma_wait3A_39 = arith.constant 0 : i32
        %dma_wait3A_40 = tpu.memref_slice %arg8[%dma_wait3A_39] : memref<10240xf32, #tpu.memory_space<vmem_shared>> -> memref<10240xf32, #tpu.memory_space<vmem_shared>>
        tpu.wait_indirect_dma semaphore(%run_scoped3A_32 : memref<!tpu.dma_semaphore, #tpu.memory_space<semaphore_mem>>) src(%arg7 : memref<128xf32, #tpu.memory_space<vmem>>) dst(%dma_wait3A_40 : memref<10240xf32, #tpu.memory_space<vmem_shared>>)
        tpu.yield
      }) : () -> ()
    }
    %barrier3A_27 = arith.constant 0 : index
    tpu.barrier barrier_id(%barrier3A_27)
    %run_scoped3A = arith.constant 0 : i32
    "tpu.region"() ({
      %run_scoped3A_28 = tpu.sem_alloc : memref<!tpu.dma_semaphore, #tpu.memory_space<semaphore_mem>>
      %dma_start3A = tpu.memref_slice %arg5[%arg0, %run_scoped3A, %mul3A_10] : memref<2x1x10240xf32, #tpu.memory_space<hbm>> -> memref<1x1x640xf32, #tpu.memory_space<hbm>>
      %dma_start3A_29 = tpu.memref_squeeze %dma_start3A : memref<1x1x640xf32, #tpu.memory_space<hbm>> -> memref<640xf32, #tpu.memory_space<hbm>>
      %dma_start3A_30 = tpu.memref_slice %arg8[%mul3A_10] : memref<10240xf32, #tpu.memory_space<vmem_shared>> -> memref<640xf32, #tpu.memory_space<vmem_shared>>
      tpu.enqueue_dma source(%dma_start3A_30 : memref<640xf32, #tpu.memory_space<vmem_shared>>) target(%dma_start3A_29 : memref<640xf32, #tpu.memory_space<hbm>>) target_semaphore(%run_scoped3A_28 : memref<!tpu.dma_semaphore, #tpu.memory_space<semaphore_mem>>)
      %dma_wait3A = tpu.memref_slice %arg5[%arg0, %run_scoped3A, %mul3A_10] : memref<2x1x10240xf32, #tpu.memory_space<hbm>> -> memref<1x1x640xf32, #tpu.memory_space<hbm>>
      %dma_wait3A_31 = tpu.memref_squeeze %dma_wait3A : memref<1x1x640xf32, #tpu.memory_space<hbm>> -> memref<640xf32, #tpu.memory_space<hbm>>
      %dma_wait3A_32 = tpu.memref_slice %arg8[%mul3A_10] : memref<10240xf32, #tpu.memory_space<vmem_shared>> -> memref<640xf32, #tpu.memory_space<vmem_shared>>
      tpu.wait_dma2 semaphore(%run_scoped3A_28 : memref<!tpu.dma_semaphore, #tpu.memory_space<semaphore_mem>>) src(%dma_wait3A_32 : memref<640xf32, #tpu.memory_space<vmem_shared>>) dst(%dma_wait3A_31 : memref<640xf32, #tpu.memory_space<hbm>>)
      tpu.yield
    }) : () -> ()
    return
  }
}

#map = affine_map<(d0, d1) -> (0, 0)>
#map1 = affine_map<(d0, d1) -> (0, 0, 0)>
module attributes {stable_mosaic.version = 14 : i64} {
  func.func @_sc_scatter(%arg0: i32, %arg1: i32, %arg2: memref<10000x128xf32, #tpu.memory_space<hbm>>, %arg3: memref<2528x2x128xi32, #tpu.memory_space<hbm>>, %arg4: memref<10112x128xf32, #tpu.memory_space<hbm>>, %arg5: memref<2x10112x128xf32, #tpu.memory_space<hbm>>, %arg6: memref<4x2x128xi32, #tpu.memory_space<vmem>>, %arg7: memref<3x128x128xf32, #tpu.memory_space<vmem>>, %arg8: memref<10112x128xf32, #tpu.memory_space<vmem_shared>>, %arg9: memref<!tpu.dma_semaphore, #tpu.memory_space<semaphore_mem>>, %arg10: memref<!tpu.dma_semaphore, #tpu.memory_space<semaphore_mem>>) attributes {dimension_semantics = [#tpu.dimension_semantics<core_parallel>, #tpu.dimension_semantics<subcore_parallel>], iteration_bounds = array<i64: 2, 16>, scalar_prefetch = 0 : i64, scratch_operands = 5 : i64, tpu.core_type = #tpu.core_type<sc_vector_subcore>, window_params = [{transform_indices = #map}, {transform_indices = #map1}, {transform_indices = #map}, {transform_indices = #map1}]} {
    %eq3A = arith.constant 0 : i32
    %eq3A_0 = arith.cmpi eq, %arg0, %eq3A : i32
    %mul3A = arith.constant 79 : i32
    %mul3A_1 = arith.muli %arg1, %mul3A : i32
    %mul3A_2 = arith.constant 79 : i32
    %mul3A_3 = arith.muli %arg1, %mul3A_2 : i32
    %add3A = arith.constant 1264 : i32
    %add3A_4 = arith.addi %add3A, %mul3A_3 : i32
    %select_n3A = arith.select %eq3A_0, %mul3A_1, %add3A_4 : i32
    %eq3A_5 = arith.constant 0 : i32
    %eq3A_6 = arith.cmpi eq, %arg0, %eq3A_5 : i32
    %jit3A = arith.constant 79 : i32
    %jit3A_7 = arith.constant 79 : i32
    %select_n3A_8 = arith.select %eq3A_6, %jit3A, %jit3A_7 : i32
    %mul3A_9 = arith.constant 632 : i32
    %mul3A_10 = arith.muli %arg1, %mul3A_9 : i32
    "tpu.region"() ({
      %run_scoped3A = tpu.sem_alloc : memref<!tpu.dma_semaphore, #tpu.memory_space<semaphore_mem>>
      %dma_start3A = arith.constant 0 : i32
      %dma_start3A_30 = tpu.memref_slice %arg8[%mul3A_10, %dma_start3A] : memref<10112x128xf32, #tpu.memory_space<vmem_shared>> -> memref<632x128xf32, #tpu.memory_space<vmem_shared>>
      %dma_start3A_31 = arith.constant 0 : i32
      %dma_start3A_32 = tpu.memref_slice %arg4[%mul3A_10, %dma_start3A_31] : memref<10112x128xf32, #tpu.memory_space<hbm>> -> memref<632x128xf32, #tpu.memory_space<hbm>>
      tpu.enqueue_dma source(%dma_start3A_32 : memref<632x128xf32, #tpu.memory_space<hbm>>) target(%dma_start3A_30 : memref<632x128xf32, #tpu.memory_space<vmem_shared>>) target_semaphore(%run_scoped3A : memref<!tpu.dma_semaphore, #tpu.memory_space<semaphore_mem>>)
      %dma_wait3A = arith.constant 0 : i32
      %dma_wait3A_33 = tpu.memref_slice %arg8[%mul3A_10, %dma_wait3A] : memref<10112x128xf32, #tpu.memory_space<vmem_shared>> -> memref<632x128xf32, #tpu.memory_space<vmem_shared>>
      %dma_wait3A_34 = arith.constant 0 : i32
      %dma_wait3A_35 = tpu.memref_slice %arg4[%mul3A_10, %dma_wait3A_34] : memref<10112x128xf32, #tpu.memory_space<hbm>> -> memref<632x128xf32, #tpu.memory_space<hbm>>
      tpu.wait_dma2 semaphore(%run_scoped3A : memref<!tpu.dma_semaphore, #tpu.memory_space<semaphore_mem>>) src(%dma_wait3A_35 : memref<632x128xf32, #tpu.memory_space<hbm>>) dst(%dma_wait3A_33 : memref<632x128xf32, #tpu.memory_space<vmem_shared>>)
      tpu.yield
    }) : () -> ()
    %gt3A = arith.constant 0 : i32
    %gt3A_11 = arith.cmpi sgt, %select_n3A_8, %gt3A : i32
    %convert_element_type3A = arith.extui %gt3A_11 : i1 to i32
    %cond3A = arith.constant 0 : i32
    %cond3A_12 = arith.cmpi ne, %convert_element_type3A, %cond3A : i32
    scf.if %cond3A_12 {
      %run_scoped3A = arith.constant 0 : i32
      "tpu.region"() ({
        %run_scoped3A_129 = tpu.sem_alloc : memref<!tpu.dma_semaphore, #tpu.memory_space<semaphore_mem>>
        %dma_start3A_130 = arith.constant 0 : i32
        %dma_start3A_131 = arith.constant 0 : i32
        %dma_start3A_132 = tpu.memref_slice %arg6[%run_scoped3A, %dma_start3A_130, %dma_start3A_131] : memref<4x2x128xi32, #tpu.memory_space<vmem>> -> memref<1x2x128xi32, #tpu.memory_space<vmem>>
        %dma_start3A_133 = tpu.memref_squeeze %dma_start3A_132 : memref<1x2x128xi32, #tpu.memory_space<vmem>> -> memref<2x128xi32, #tpu.memory_space<vmem>>
        %dma_start3A_134 = arith.constant 0 : i32
        %dma_start3A_135 = arith.constant 0 : i32
        %dma_start3A_136 = tpu.memref_slice %arg3[%select_n3A, %dma_start3A_134, %dma_start3A_135] : memref<2528x2x128xi32, #tpu.memory_space<hbm>> -> memref<1x2x128xi32, #tpu.memory_space<hbm>>
        %dma_start3A_137 = tpu.memref_squeeze %dma_start3A_136 : memref<1x2x128xi32, #tpu.memory_space<hbm>> -> memref<2x128xi32, #tpu.memory_space<hbm>>
        %dma_start3A_138 = arith.constant 0 : i32
        %dma_start3A_139 = arith.constant 0 : i32
        %dma_start3A_140 = tpu.memref_slice %arg6[%run_scoped3A, %dma_start3A_138, %dma_start3A_139] : memref<4x2x128xi32, #tpu.memory_space<vmem>> -> memref<1x2x128xi32, #tpu.memory_space<vmem>>
        %dma_start3A_141 = tpu.memref_squeeze %dma_start3A_140 : memref<1x2x128xi32, #tpu.memory_space<vmem>> -> memref<2x128xi32, #tpu.memory_space<vmem>>
        %dma_start3A_142 = arith.constant 0 : i32
        %dma_start3A_143 = arith.constant 0 : i32
        %dma_start3A_144 = tpu.memref_slice %arg3[%select_n3A, %dma_start3A_142, %dma_start3A_143] : memref<2528x2x128xi32, #tpu.memory_space<hbm>> -> memref<1x2x128xi32, #tpu.memory_space<hbm>>
        %dma_start3A_145 = tpu.memref_squeeze %dma_start3A_144 : memref<1x2x128xi32, #tpu.memory_space<hbm>> -> memref<2x128xi32, #tpu.memory_space<hbm>>
        tpu.enqueue_dma source(%dma_start3A_145 : memref<2x128xi32, #tpu.memory_space<hbm>>) target(%dma_start3A_141 : memref<2x128xi32, #tpu.memory_space<vmem>>) target_semaphore(%run_scoped3A_129 : memref<!tpu.dma_semaphore, #tpu.memory_space<semaphore_mem>>)
        %dma_wait3A_146 = arith.constant 0 : i32
        %dma_wait3A_147 = arith.constant 0 : i32
        %dma_wait3A_148 = tpu.memref_slice %arg6[%run_scoped3A, %dma_wait3A_146, %dma_wait3A_147] : memref<4x2x128xi32, #tpu.memory_space<vmem>> -> memref<1x2x128xi32, #tpu.memory_space<vmem>>
        %dma_wait3A_149 = tpu.memref_squeeze %dma_wait3A_148 : memref<1x2x128xi32, #tpu.memory_space<vmem>> -> memref<2x128xi32, #tpu.memory_space<vmem>>
        %dma_wait3A_150 = arith.constant 0 : i32
        %dma_wait3A_151 = arith.constant 0 : i32
        %dma_wait3A_152 = tpu.memref_slice %arg3[%select_n3A, %dma_wait3A_150, %dma_wait3A_151] : memref<2528x2x128xi32, #tpu.memory_space<hbm>> -> memref<1x2x128xi32, #tpu.memory_space<hbm>>
        %dma_wait3A_153 = tpu.memref_squeeze %dma_wait3A_152 : memref<1x2x128xi32, #tpu.memory_space<hbm>> -> memref<2x128xi32, #tpu.memory_space<hbm>>
        %dma_wait3A_154 = arith.constant 0 : i32
        %dma_wait3A_155 = arith.constant 0 : i32
        %dma_wait3A_156 = tpu.memref_slice %arg6[%run_scoped3A, %dma_wait3A_154, %dma_wait3A_155] : memref<4x2x128xi32, #tpu.memory_space<vmem>> -> memref<1x2x128xi32, #tpu.memory_space<vmem>>
        %dma_wait3A_157 = tpu.memref_squeeze %dma_wait3A_156 : memref<1x2x128xi32, #tpu.memory_space<vmem>> -> memref<2x128xi32, #tpu.memory_space<vmem>>
        %dma_wait3A_158 = arith.constant 0 : i32
        %dma_wait3A_159 = arith.constant 0 : i32
        %dma_wait3A_160 = tpu.memref_slice %arg3[%select_n3A, %dma_wait3A_158, %dma_wait3A_159] : memref<2528x2x128xi32, #tpu.memory_space<hbm>> -> memref<1x2x128xi32, #tpu.memory_space<hbm>>
        %dma_wait3A_161 = tpu.memref_squeeze %dma_wait3A_160 : memref<1x2x128xi32, #tpu.memory_space<hbm>> -> memref<2x128xi32, #tpu.memory_space<hbm>>
        tpu.wait_dma2 semaphore(%run_scoped3A_129 : memref<!tpu.dma_semaphore, #tpu.memory_space<semaphore_mem>>) src(%dma_wait3A_161 : memref<2x128xi32, #tpu.memory_space<hbm>>) dst(%dma_wait3A_157 : memref<2x128xi32, #tpu.memory_space<vmem>>)
        tpu.yield
      }) : () -> ()
      %dma_start3A = arith.constant 0 : i32
      %dma_start3A_30 = arith.constant 0 : i32
      %dma_start3A_31 = arith.constant 0 : i32
      %dma_start3A_32 = arith.constant 0 : i32
      %dma_start3A_33 = arith.constant 0 : i32
      %dma_start3A_34 = tpu.memref_slice %arg7[%dma_start3A_31, %dma_start3A_32, %dma_start3A_33] : memref<3x128x128xf32, #tpu.memory_space<vmem>> -> memref<1x128x128xf32, #tpu.memory_space<vmem>>
      %dma_start3A_35 = tpu.memref_squeeze %dma_start3A_34 : memref<1x128x128xf32, #tpu.memory_space<vmem>> -> memref<128x128xf32, #tpu.memory_space<vmem>>
      %dma_start3A_36 = arith.constant 0 : i32
      %dma_start3A_37 = tpu.memref_slice %arg6[%dma_start3A, %dma_start3A_30, %dma_start3A_36] : memref<4x2x128xi32, #tpu.memory_space<vmem>> -> memref<1x1x128xi32, #tpu.memory_space<vmem>>
      %dma_start3A_38 = tpu.memref_squeeze %dma_start3A_37 : memref<1x1x128xi32, #tpu.memory_space<vmem>> -> memref<128xi32, #tpu.memory_space<vmem>>
      %dma_start3A_39 = arith.constant 0 : i32
      %dma_start3A_40 = arith.constant 0 : i32
      %dma_start3A_41 = tpu.memref_slice %arg2[%dma_start3A_39, %dma_start3A_40] : memref<10000x128xf32, #tpu.memory_space<hbm>> -> memref<10000x128xf32, #tpu.memory_space<hbm>>
      tpu.enqueue_indirect_dma source(%dma_start3A_41 : memref<10000x128xf32, #tpu.memory_space<hbm>>) target(%dma_start3A_35 : memref<128x128xf32, #tpu.memory_space<vmem>>) offsets(%dma_start3A_38 : memref<128xi32, #tpu.memory_space<vmem>>) semaphore(%arg9 : memref<!tpu.dma_semaphore, #tpu.memory_space<semaphore_mem>>)
      %add3A_42 = arith.constant 1 : i32
      %add3A_43 = arith.addi %select_n3A, %add3A_42 : i32
      %dma_start3A_44 = arith.constant 1 : i32
      %dma_start3A_45 = arith.constant 0 : i32
      %dma_start3A_46 = arith.constant 0 : i32
      %dma_start3A_47 = tpu.memref_slice %arg6[%dma_start3A_44, %dma_start3A_45, %dma_start3A_46] : memref<4x2x128xi32, #tpu.memory_space<vmem>> -> memref<1x2x128xi32, #tpu.memory_space<vmem>>
      %dma_start3A_48 = tpu.memref_squeeze %dma_start3A_47 : memref<1x2x128xi32, #tpu.memory_space<vmem>> -> memref<2x128xi32, #tpu.memory_space<vmem>>
      %dma_start3A_49 = arith.constant 0 : i32
      %dma_start3A_50 = arith.constant 0 : i32
      %dma_start3A_51 = tpu.memref_slice %arg3[%add3A_43, %dma_start3A_49, %dma_start3A_50] : memref<2528x2x128xi32, #tpu.memory_space<hbm>> -> memref<1x2x128xi32, #tpu.memory_space<hbm>>
      %dma_start3A_52 = tpu.memref_squeeze %dma_start3A_51 : memref<1x2x128xi32, #tpu.memory_space<hbm>> -> memref<2x128xi32, #tpu.memory_space<hbm>>
      %dma_start3A_53 = arith.constant 0 : i32
      %dma_start3A_54 = arith.constant 0 : i32
      %dma_start3A_55 = tpu.memref_slice %arg6[%dma_start3A_44, %dma_start3A_53, %dma_start3A_54] : memref<4x2x128xi32, #tpu.memory_space<vmem>> -> memref<1x2x128xi32, #tpu.memory_space<vmem>>
      %dma_start3A_56 = tpu.memref_squeeze %dma_start3A_55 : memref<1x2x128xi32, #tpu.memory_space<vmem>> -> memref<2x128xi32, #tpu.memory_space<vmem>>
      %dma_start3A_57 = arith.constant 0 : i32
      %dma_start3A_58 = arith.constant 0 : i32
      %dma_start3A_59 = tpu.memref_slice %arg3[%add3A_43, %dma_start3A_57, %dma_start3A_58] : memref<2528x2x128xi32, #tpu.memory_space<hbm>> -> memref<1x2x128xi32, #tpu.memory_space<hbm>>
      %dma_start3A_60 = tpu.memref_squeeze %dma_start3A_59 : memref<1x2x128xi32, #tpu.memory_space<hbm>> -> memref<2x128xi32, #tpu.memory_space<hbm>>
      tpu.enqueue_dma source(%dma_start3A_60 : memref<2x128xi32, #tpu.memory_space<hbm>>) target(%dma_start3A_56 : memref<2x128xi32, #tpu.memory_space<vmem>>) target_semaphore(%arg10 : memref<!tpu.dma_semaphore, #tpu.memory_space<semaphore_mem>>)
      %add3A_61 = arith.constant 2 : i32
      %add3A_62 = arith.addi %select_n3A, %add3A_61 : i32
      %dma_start3A_63 = arith.constant 2 : i32
      %dma_start3A_64 = arith.constant 0 : i32
      %dma_start3A_65 = arith.constant 0 : i32
      %dma_start3A_66 = tpu.memref_slice %arg6[%dma_start3A_63, %dma_start3A_64, %dma_start3A_65] : memref<4x2x128xi32, #tpu.memory_space<vmem>> -> memref<1x2x128xi32, #tpu.memory_space<vmem>>
      %dma_start3A_67 = tpu.memref_squeeze %dma_start3A_66 : memref<1x2x128xi32, #tpu.memory_space<vmem>> -> memref<2x128xi32, #tpu.memory_space<vmem>>
      %dma_start3A_68 = arith.constant 0 : i32
      %dma_start3A_69 = arith.constant 0 : i32
      %dma_start3A_70 = tpu.memref_slice %arg3[%add3A_62, %dma_start3A_68, %dma_start3A_69] : memref<2528x2x128xi32, #tpu.memory_space<hbm>> -> memref<1x2x128xi32, #tpu.memory_space<hbm>>
      %dma_start3A_71 = tpu.memref_squeeze %dma_start3A_70 : memref<1x2x128xi32, #tpu.memory_space<hbm>> -> memref<2x128xi32, #tpu.memory_space<hbm>>
      %dma_start3A_72 = arith.constant 0 : i32
      %dma_start3A_73 = arith.constant 0 : i32
      %dma_start3A_74 = tpu.memref_slice %arg6[%dma_start3A_63, %dma_start3A_72, %dma_start3A_73] : memref<4x2x128xi32, #tpu.memory_space<vmem>> -> memref<1x2x128xi32, #tpu.memory_space<vmem>>
      %dma_start3A_75 = tpu.memref_squeeze %dma_start3A_74 : memref<1x2x128xi32, #tpu.memory_space<vmem>> -> memref<2x128xi32, #tpu.memory_space<vmem>>
      %dma_start3A_76 = arith.constant 0 : i32
      %dma_start3A_77 = arith.constant 0 : i32
      %dma_start3A_78 = tpu.memref_slice %arg3[%add3A_62, %dma_start3A_76, %dma_start3A_77] : memref<2528x2x128xi32, #tpu.memory_space<hbm>> -> memref<1x2x128xi32, #tpu.memory_space<hbm>>
      %dma_start3A_79 = tpu.memref_squeeze %dma_start3A_78 : memref<1x2x128xi32, #tpu.memory_space<hbm>> -> memref<2x128xi32, #tpu.memory_space<hbm>>
      tpu.enqueue_dma source(%dma_start3A_79 : memref<2x128xi32, #tpu.memory_space<hbm>>) target(%dma_start3A_75 : memref<2x128xi32, #tpu.memory_space<vmem>>) target_semaphore(%arg10 : memref<!tpu.dma_semaphore, #tpu.memory_space<semaphore_mem>>)
      %add3A_80 = arith.constant 3 : i32
      %add3A_81 = arith.addi %select_n3A, %add3A_80 : i32
      %dma_start3A_82 = arith.constant 3 : i32
      %dma_start3A_83 = arith.constant 0 : i32
      %dma_start3A_84 = arith.constant 0 : i32
      %dma_start3A_85 = tpu.memref_slice %arg6[%dma_start3A_82, %dma_start3A_83, %dma_start3A_84] : memref<4x2x128xi32, #tpu.memory_space<vmem>> -> memref<1x2x128xi32, #tpu.memory_space<vmem>>
      %dma_start3A_86 = tpu.memref_squeeze %dma_start3A_85 : memref<1x2x128xi32, #tpu.memory_space<vmem>> -> memref<2x128xi32, #tpu.memory_space<vmem>>
      %dma_start3A_87 = arith.constant 0 : i32
      %dma_start3A_88 = arith.constant 0 : i32
      %dma_start3A_89 = tpu.memref_slice %arg3[%add3A_81, %dma_start3A_87, %dma_start3A_88] : memref<2528x2x128xi32, #tpu.memory_space<hbm>> -> memref<1x2x128xi32, #tpu.memory_space<hbm>>
      %dma_start3A_90 = tpu.memref_squeeze %dma_start3A_89 : memref<1x2x128xi32, #tpu.memory_space<hbm>> -> memref<2x128xi32, #tpu.memory_space<hbm>>
      %dma_start3A_91 = arith.constant 0 : i32
      %dma_start3A_92 = arith.constant 0 : i32
      %dma_start3A_93 = tpu.memref_slice %arg6[%dma_start3A_82, %dma_start3A_91, %dma_start3A_92] : memref<4x2x128xi32, #tpu.memory_space<vmem>> -> memref<1x2x128xi32, #tpu.memory_space<vmem>>
      %dma_start3A_94 = tpu.memref_squeeze %dma_start3A_93 : memref<1x2x128xi32, #tpu.memory_space<vmem>> -> memref<2x128xi32, #tpu.memory_space<vmem>>
      %dma_start3A_95 = arith.constant 0 : i32
      %dma_start3A_96 = arith.constant 0 : i32
      %dma_start3A_97 = tpu.memref_slice %arg3[%add3A_81, %dma_start3A_95, %dma_start3A_96] : memref<2528x2x128xi32, #tpu.memory_space<hbm>> -> memref<1x2x128xi32, #tpu.memory_space<hbm>>
      %dma_start3A_98 = tpu.memref_squeeze %dma_start3A_97 : memref<1x2x128xi32, #tpu.memory_space<hbm>> -> memref<2x128xi32, #tpu.memory_space<hbm>>
      tpu.enqueue_dma source(%dma_start3A_98 : memref<2x128xi32, #tpu.memory_space<hbm>>) target(%dma_start3A_94 : memref<2x128xi32, #tpu.memory_space<vmem>>) target_semaphore(%arg10 : memref<!tpu.dma_semaphore, #tpu.memory_space<semaphore_mem>>)
      %dma_wait3A = arith.constant 0 : i32
      %dma_wait3A_99 = arith.constant 1 : i32
      %dma_wait3A_100 = arith.constant 0 : i32
      %dma_wait3A_101 = arith.constant 0 : i32
      %dma_wait3A_102 = tpu.memref_slice %arg6[%dma_wait3A_99, %dma_wait3A_100, %dma_wait3A_101] : memref<4x2x128xi32, #tpu.memory_space<vmem>> -> memref<1x2x128xi32, #tpu.memory_space<vmem>>
      %dma_wait3A_103 = tpu.memref_squeeze %dma_wait3A_102 : memref<1x2x128xi32, #tpu.memory_space<vmem>> -> memref<2x128xi32, #tpu.memory_space<vmem>>
      %dma_wait3A_104 = arith.constant 0 : i32
      %dma_wait3A_105 = arith.constant 0 : i32
      %dma_wait3A_106 = tpu.memref_slice %arg3[%dma_wait3A, %dma_wait3A_104, %dma_wait3A_105] : memref<2528x2x128xi32, #tpu.memory_space<hbm>> -> memref<1x2x128xi32, #tpu.memory_space<hbm>>
      %dma_wait3A_107 = tpu.memref_squeeze %dma_wait3A_106 : memref<1x2x128xi32, #tpu.memory_space<hbm>> -> memref<2x128xi32, #tpu.memory_space<hbm>>
      %dma_wait3A_108 = arith.constant 0 : i32
      %dma_wait3A_109 = arith.constant 0 : i32
      %dma_wait3A_110 = tpu.memref_slice %arg6[%dma_wait3A_99, %dma_wait3A_108, %dma_wait3A_109] : memref<4x2x128xi32, #tpu.memory_space<vmem>> -> memref<1x2x128xi32, #tpu.memory_space<vmem>>
      %dma_wait3A_111 = tpu.memref_squeeze %dma_wait3A_110 : memref<1x2x128xi32, #tpu.memory_space<vmem>> -> memref<2x128xi32, #tpu.memory_space<vmem>>
      %dma_wait3A_112 = arith.constant 0 : i32
      %dma_wait3A_113 = arith.constant 0 : i32
      %dma_wait3A_114 = tpu.memref_slice %arg3[%dma_wait3A, %dma_wait3A_112, %dma_wait3A_113] : memref<2528x2x128xi32, #tpu.memory_space<hbm>> -> memref<1x2x128xi32, #tpu.memory_space<hbm>>
      %dma_wait3A_115 = tpu.memref_squeeze %dma_wait3A_114 : memref<1x2x128xi32, #tpu.memory_space<hbm>> -> memref<2x128xi32, #tpu.memory_space<hbm>>
      tpu.wait_dma2 semaphore(%arg10 : memref<!tpu.dma_semaphore, #tpu.memory_space<semaphore_mem>>) src(%dma_wait3A_115 : memref<2x128xi32, #tpu.memory_space<hbm>>) dst(%dma_wait3A_111 : memref<2x128xi32, #tpu.memory_space<vmem>>)
      %dma_start3A_116 = arith.constant 1 : i32
      %dma_start3A_117 = arith.constant 0 : i32
      %dma_start3A_118 = arith.constant 1 : i32
      %dma_start3A_119 = arith.constant 0 : i32
      %dma_start3A_120 = arith.constant 0 : i32
      %dma_start3A_121 = tpu.memref_slice %arg7[%dma_start3A_118, %dma_start3A_119, %dma_start3A_120] : memref<3x128x128xf32, #tpu.memory_space<vmem>> -> memref<1x128x128xf32, #tpu.memory_space<vmem>>
      %dma_start3A_122 = tpu.memref_squeeze %dma_start3A_121 : memref<1x128x128xf32, #tpu.memory_space<vmem>> -> memref<128x128xf32, #tpu.memory_space<vmem>>
      %dma_start3A_123 = arith.constant 0 : i32
      %dma_start3A_124 = tpu.memref_slice %arg6[%dma_start3A_116, %dma_start3A_117, %dma_start3A_123] : memref<4x2x128xi32, #tpu.memory_space<vmem>> -> memref<1x1x128xi32, #tpu.memory_space<vmem>>
      %dma_start3A_125 = tpu.memref_squeeze %dma_start3A_124 : memref<1x1x128xi32, #tpu.memory_space<vmem>> -> memref<128xi32, #tpu.memory_space<vmem>>
      %dma_start3A_126 = arith.constant 0 : i32
      %dma_start3A_127 = arith.constant 0 : i32
      %dma_start3A_128 = tpu.memref_slice %arg2[%dma_start3A_126, %dma_start3A_127] : memref<10000x128xf32, #tpu.memory_space<hbm>> -> memref<10000x128xf32, #tpu.memory_space<hbm>>
      tpu.enqueue_indirect_dma source(%dma_start3A_128 : memref<10000x128xf32, #tpu.memory_space<hbm>>) target(%dma_start3A_122 : memref<128x128xf32, #tpu.memory_space<vmem>>) offsets(%dma_start3A_125 : memref<128xi32, #tpu.memory_space<vmem>>) semaphore(%arg9 : memref<!tpu.dma_semaphore, #tpu.memory_space<semaphore_mem>>)
    } else {
    }
    %barrier3A = arith.constant 0 : index
    tpu.barrier barrier_id(%barrier3A)
    %sub3A = arith.constant 0 : i32
    %sub3A_13 = arith.subi %select_n3A_8, %sub3A : i32
    %sub3A_14 = arith.constant 1 : i32
    %sub3A_15 = arith.constant 1 : i32
    %sub3A_16 = arith.subi %sub3A_14, %sub3A_15 : i32
    %add3A_17 = arith.addi %sub3A_13, %sub3A_16 : i32
    %div3A = arith.constant 1 : i32
    %div3A_18 = arith.divsi %add3A_17, %div3A : i32
    %while3A = arith.constant 1 : i32
    %while3A_19 = arith.constant 0 : i32
    %while3A_20 = arith.constant 0 : i32
    %while3A_21 = arith.subi %div3A_18, %while3A_20 : i32
    %while3A_22 = arith.addi %while3A_20, %while3A_21 : i32
    %while3A_23 = arith.constant 1 : i32
    %while3A_24 = arith.divsi %while3A_21, %while3A_23 : i32
    %while3A_25 = arith.muli %while3A_24, %while3A_23 : i32
    %while3A_26 = arith.addi %while3A_20, %while3A_25 : i32
    %while3A_27 = arith.constant 1 : i32
    scf.for %while3A_30 = %while3A_20 to %while3A_26 step %while3A_27  : i32 {
      %mul3A_31 = arith.muli %while3A_30, %while3A : i32
      %add3A_32 = arith.addi %while3A_19, %mul3A_31 : i32
      %rem3A = arith.constant 3 : i32
      %rem3A_33 = arith.remsi %add3A_32, %rem3A : i32
      %rem3A_34 = arith.constant 4 : i32
      %rem3A_35 = arith.remsi %add3A_32, %rem3A_34 : i32
      %dma_wait3A = arith.constant 0 : i32
      %dma_wait3A_36 = arith.constant 0 : i32
      %dma_wait3A_37 = tpu.memref_slice %arg7[%rem3A_33, %dma_wait3A, %dma_wait3A_36] : memref<3x128x128xf32, #tpu.memory_space<vmem>> -> memref<1x128x128xf32, #tpu.memory_space<vmem>>
      %dma_wait3A_38 = tpu.memref_squeeze %dma_wait3A_37 : memref<1x128x128xf32, #tpu.memory_space<vmem>> -> memref<128x128xf32, #tpu.memory_space<vmem>>
      %dma_wait3A_39 = arith.constant 0 : i32
      %dma_wait3A_40 = arith.constant 0 : i32
      %dma_wait3A_41 = tpu.memref_slice %arg4[%dma_wait3A_39, %dma_wait3A_40] : memref<10112x128xf32, #tpu.memory_space<hbm>> -> memref<128x128xf32, #tpu.memory_space<hbm>>
      %dma_wait3A_42 = arith.constant 0 : i32
      %dma_wait3A_43 = arith.constant 0 : i32
      %dma_wait3A_44 = tpu.memref_slice %arg7[%rem3A_33, %dma_wait3A_42, %dma_wait3A_43] : memref<3x128x128xf32, #tpu.memory_space<vmem>> -> memref<1x128x128xf32, #tpu.memory_space<vmem>>
      %dma_wait3A_45 = tpu.memref_squeeze %dma_wait3A_44 : memref<1x128x128xf32, #tpu.memory_space<vmem>> -> memref<128x128xf32, #tpu.memory_space<vmem>>
      %dma_wait3A_46 = arith.constant 0 : i32
      %dma_wait3A_47 = arith.constant 0 : i32
      %dma_wait3A_48 = tpu.memref_slice %arg4[%dma_wait3A_46, %dma_wait3A_47] : memref<10112x128xf32, #tpu.memory_space<hbm>> -> memref<128x128xf32, #tpu.memory_space<hbm>>
      tpu.wait_dma2 semaphore(%arg9 : memref<!tpu.dma_semaphore, #tpu.memory_space<semaphore_mem>>) src(%dma_wait3A_48 : memref<128x128xf32, #tpu.memory_space<hbm>>) dst(%dma_wait3A_45 : memref<128x128xf32, #tpu.memory_space<vmem>>)
      %add3A_49 = arith.constant 2 : i32
      %add3A_50 = arith.addi %add3A_32, %add3A_49 : i32
      %lt3A = arith.cmpi slt, %add3A_50, %select_n3A_8 : i32
      %convert_element_type3A_51 = arith.extui %lt3A : i1 to i32
      %cond3A_52 = arith.constant 0 : i32
      %cond3A_53 = arith.cmpi ne, %convert_element_type3A_51, %cond3A_52 : i32
      scf.if %cond3A_53 {
        %add3A_60 = arith.constant 2 : i32
        %add3A_61 = arith.addi %add3A_32, %add3A_60 : i32
        %rem3A_62 = arith.constant 4 : i32
        %rem3A_63 = arith.remsi %add3A_61, %rem3A_62 : i32
        %dma_wait3A_64 = arith.constant 0 : i32
        %dma_wait3A_65 = arith.constant 0 : i32
        %dma_wait3A_66 = arith.constant 0 : i32
        %dma_wait3A_67 = tpu.memref_slice %arg6[%rem3A_63, %dma_wait3A_65, %dma_wait3A_66] : memref<4x2x128xi32, #tpu.memory_space<vmem>> -> memref<1x2x128xi32, #tpu.memory_space<vmem>>
        %dma_wait3A_68 = tpu.memref_squeeze %dma_wait3A_67 : memref<1x2x128xi32, #tpu.memory_space<vmem>> -> memref<2x128xi32, #tpu.memory_space<vmem>>
        %dma_wait3A_69 = arith.constant 0 : i32
        %dma_wait3A_70 = arith.constant 0 : i32
        %dma_wait3A_71 = tpu.memref_slice %arg3[%dma_wait3A_64, %dma_wait3A_69, %dma_wait3A_70] : memref<2528x2x128xi32, #tpu.memory_space<hbm>> -> memref<1x2x128xi32, #tpu.memory_space<hbm>>
        %dma_wait3A_72 = tpu.memref_squeeze %dma_wait3A_71 : memref<1x2x128xi32, #tpu.memory_space<hbm>> -> memref<2x128xi32, #tpu.memory_space<hbm>>
        %dma_wait3A_73 = arith.constant 0 : i32
        %dma_wait3A_74 = arith.constant 0 : i32
        %dma_wait3A_75 = tpu.memref_slice %arg6[%rem3A_63, %dma_wait3A_73, %dma_wait3A_74] : memref<4x2x128xi32, #tpu.memory_space<vmem>> -> memref<1x2x128xi32, #tpu.memory_space<vmem>>
        %dma_wait3A_76 = tpu.memref_squeeze %dma_wait3A_75 : memref<1x2x128xi32, #tpu.memory_space<vmem>> -> memref<2x128xi32, #tpu.memory_space<vmem>>
        %dma_wait3A_77 = arith.constant 0 : i32
        %dma_wait3A_78 = arith.constant 0 : i32
        %dma_wait3A_79 = tpu.memref_slice %arg3[%dma_wait3A_64, %dma_wait3A_77, %dma_wait3A_78] : memref<2528x2x128xi32, #tpu.memory_space<hbm>> -> memref<1x2x128xi32, #tpu.memory_space<hbm>>
        %dma_wait3A_80 = tpu.memref_squeeze %dma_wait3A_79 : memref<1x2x128xi32, #tpu.memory_space<hbm>> -> memref<2x128xi32, #tpu.memory_space<hbm>>
        tpu.wait_dma2 semaphore(%arg10 : memref<!tpu.dma_semaphore, #tpu.memory_space<semaphore_mem>>) src(%dma_wait3A_80 : memref<2x128xi32, #tpu.memory_space<hbm>>) dst(%dma_wait3A_76 : memref<2x128xi32, #tpu.memory_space<vmem>>)
        %add3A_81 = arith.constant 2 : i32
        %add3A_82 = arith.addi %add3A_32, %add3A_81 : i32
        %rem3A_83 = arith.constant 3 : i32
        %rem3A_84 = arith.remsi %add3A_82, %rem3A_83 : i32
        %dma_start3A = arith.constant 0 : i32
        %dma_start3A_85 = arith.constant 0 : i32
        %dma_start3A_86 = arith.constant 0 : i32
        %dma_start3A_87 = tpu.memref_slice %arg7[%rem3A_84, %dma_start3A_85, %dma_start3A_86] : memref<3x128x128xf32, #tpu.memory_space<vmem>> -> memref<1x128x128xf32, #tpu.memory_space<vmem>>
        %dma_start3A_88 = tpu.memref_squeeze %dma_start3A_87 : memref<1x128x128xf32, #tpu.memory_space<vmem>> -> memref<128x128xf32, #tpu.memory_space<vmem>>
        %dma_start3A_89 = arith.constant 0 : i32
        %dma_start3A_90 = tpu.memref_slice %arg6[%rem3A_63, %dma_start3A, %dma_start3A_89] : memref<4x2x128xi32, #tpu.memory_space<vmem>> -> memref<1x1x128xi32, #tpu.memory_space<vmem>>
        %dma_start3A_91 = tpu.memref_squeeze %dma_start3A_90 : memref<1x1x128xi32, #tpu.memory_space<vmem>> -> memref<128xi32, #tpu.memory_space<vmem>>
        %dma_start3A_92 = arith.constant 0 : i32
        %dma_start3A_93 = arith.constant 0 : i32
        %dma_start3A_94 = tpu.memref_slice %arg2[%dma_start3A_92, %dma_start3A_93] : memref<10000x128xf32, #tpu.memory_space<hbm>> -> memref<10000x128xf32, #tpu.memory_space<hbm>>
        tpu.enqueue_indirect_dma source(%dma_start3A_94 : memref<10000x128xf32, #tpu.memory_space<hbm>>) target(%dma_start3A_88 : memref<128x128xf32, #tpu.memory_space<vmem>>) offsets(%dma_start3A_91 : memref<128xi32, #tpu.memory_space<vmem>>) semaphore(%arg9 : memref<!tpu.dma_semaphore, #tpu.memory_space<semaphore_mem>>)
      } else {
      }
      %run_scoped3A = arith.constant 1 : i32
      "tpu.region"() ({
        %run_scoped3A_60 = tpu.sem_alloc : memref<!tpu.dma_semaphore, #tpu.memory_space<semaphore_mem>>
        %dma_start3A = arith.constant 0 : i32
        %dma_start3A_61 = arith.constant 0 : i32
        %dma_start3A_62 = tpu.memref_slice %arg7[%rem3A_33, %dma_start3A, %dma_start3A_61] : memref<3x128x128xf32, #tpu.memory_space<vmem>> -> memref<1x128x128xf32, #tpu.memory_space<vmem>>
        %dma_start3A_63 = tpu.memref_squeeze %dma_start3A_62 : memref<1x128x128xf32, #tpu.memory_space<vmem>> -> memref<128x128xf32, #tpu.memory_space<vmem>>
        %dma_start3A_64 = arith.constant 0 : i32
        %dma_start3A_65 = tpu.memref_slice %arg6[%rem3A_35, %run_scoped3A, %dma_start3A_64] : memref<4x2x128xi32, #tpu.memory_space<vmem>> -> memref<1x1x128xi32, #tpu.memory_space<vmem>>
        %dma_start3A_66 = tpu.memref_squeeze %dma_start3A_65 : memref<1x1x128xi32, #tpu.memory_space<vmem>> -> memref<128xi32, #tpu.memory_space<vmem>>
        %dma_start3A_67 = arith.constant 0 : i32
        %dma_start3A_68 = arith.constant 0 : i32
        %dma_start3A_69 = tpu.memref_slice %arg8[%dma_start3A_67, %dma_start3A_68] : memref<10112x128xf32, #tpu.memory_space<vmem_shared>> -> memref<10112x128xf32, #tpu.memory_space<vmem_shared>>
        tpu.enqueue_indirect_dma source(%dma_start3A_63 : memref<128x128xf32, #tpu.memory_space<vmem>>) target(%dma_start3A_69 : memref<10112x128xf32, #tpu.memory_space<vmem_shared>>) offsets(%dma_start3A_66 : memref<128xi32, #tpu.memory_space<vmem>>) semaphore(%run_scoped3A_60 : memref<!tpu.dma_semaphore, #tpu.memory_space<semaphore_mem>>) {add = true}
        %dma_wait3A_70 = arith.constant 0 : i32
        %dma_wait3A_71 = arith.constant 0 : i32
        %dma_wait3A_72 = tpu.memref_slice %arg7[%rem3A_33, %dma_wait3A_70, %dma_wait3A_71] : memref<3x128x128xf32, #tpu.memory_space<vmem>> -> memref<1x128x128xf32, #tpu.memory_space<vmem>>
        %dma_wait3A_73 = tpu.memref_squeeze %dma_wait3A_72 : memref<1x128x128xf32, #tpu.memory_space<vmem>> -> memref<128x128xf32, #tpu.memory_space<vmem>>
        %dma_wait3A_74 = arith.constant 0 : i32
        %dma_wait3A_75 = tpu.memref_slice %arg6[%rem3A_35, %run_scoped3A, %dma_wait3A_74] : memref<4x2x128xi32, #tpu.memory_space<vmem>> -> memref<1x1x128xi32, #tpu.memory_space<vmem>>
        %dma_wait3A_76 = tpu.memref_squeeze %dma_wait3A_75 : memref<1x1x128xi32, #tpu.memory_space<vmem>> -> memref<128xi32, #tpu.memory_space<vmem>>
        %dma_wait3A_77 = arith.constant 0 : i32
        %dma_wait3A_78 = arith.constant 0 : i32
        %dma_wait3A_79 = tpu.memref_slice %arg8[%dma_wait3A_77, %dma_wait3A_78] : memref<10112x128xf32, #tpu.memory_space<vmem_shared>> -> memref<10112x128xf32, #tpu.memory_space<vmem_shared>>
        tpu.wait_indirect_dma semaphore(%run_scoped3A_60 : memref<!tpu.dma_semaphore, #tpu.memory_space<semaphore_mem>>) src(%dma_wait3A_73 : memref<128x128xf32, #tpu.memory_space<vmem>>) dst(%dma_wait3A_79 : memref<10112x128xf32, #tpu.memory_space<vmem_shared>>)
        tpu.yield
      }) : () -> ()
      %add3A_54 = arith.constant 4 : i32
      %add3A_55 = arith.addi %add3A_32, %add3A_54 : i32
      %lt3A_56 = arith.cmpi slt, %add3A_55, %select_n3A_8 : i32
      %convert_element_type3A_57 = arith.extui %lt3A_56 : i1 to i32
      %cond3A_58 = arith.constant 0 : i32
      %cond3A_59 = arith.cmpi ne, %convert_element_type3A_57, %cond3A_58 : i32
      scf.if %cond3A_59 {
        %add3A_60 = arith.addi %select_n3A, %add3A_32 : i32
        %add3A_61 = arith.constant 4 : i32
        %add3A_62 = arith.addi %add3A_60, %add3A_61 : i32
        %dma_start3A = arith.constant 0 : i32
        %dma_start3A_63 = arith.constant 0 : i32
        %dma_start3A_64 = tpu.memref_slice %arg6[%rem3A_35, %dma_start3A, %dma_start3A_63] : memref<4x2x128xi32, #tpu.memory_space<vmem>> -> memref<1x2x128xi32, #tpu.memory_space<vmem>>
        %dma_start3A_65 = tpu.memref_squeeze %dma_start3A_64 : memref<1x2x128xi32, #tpu.memory_space<vmem>> -> memref<2x128xi32, #tpu.memory_space<vmem>>
        %dma_start3A_66 = arith.constant 0 : i32
        %dma_start3A_67 = arith.constant 0 : i32
        %dma_start3A_68 = tpu.memref_slice %arg3[%add3A_62, %dma_start3A_66, %dma_start3A_67] : memref<2528x2x128xi32, #tpu.memory_space<hbm>> -> memref<1x2x128xi32, #tpu.memory_space<hbm>>
        %dma_start3A_69 = tpu.memref_squeeze %dma_start3A_68 : memref<1x2x128xi32, #tpu.memory_space<hbm>> -> memref<2x128xi32, #tpu.memory_space<hbm>>
        %dma_start3A_70 = arith.constant 0 : i32
        %dma_start3A_71 = arith.constant 0 : i32
        %dma_start3A_72 = tpu.memref_slice %arg6[%rem3A_35, %dma_start3A_70, %dma_start3A_71] : memref<4x2x128xi32, #tpu.memory_space<vmem>> -> memref<1x2x128xi32, #tpu.memory_space<vmem>>
        %dma_start3A_73 = tpu.memref_squeeze %dma_start3A_72 : memref<1x2x128xi32, #tpu.memory_space<vmem>> -> memref<2x128xi32, #tpu.memory_space<vmem>>
        %dma_start3A_74 = arith.constant 0 : i32
        %dma_start3A_75 = arith.constant 0 : i32
        %dma_start3A_76 = tpu.memref_slice %arg3[%add3A_62, %dma_start3A_74, %dma_start3A_75] : memref<2528x2x128xi32, #tpu.memory_space<hbm>> -> memref<1x2x128xi32, #tpu.memory_space<hbm>>
        %dma_start3A_77 = tpu.memref_squeeze %dma_start3A_76 : memref<1x2x128xi32, #tpu.memory_space<hbm>> -> memref<2x128xi32, #tpu.memory_space<hbm>>
        tpu.enqueue_dma source(%dma_start3A_77 : memref<2x128xi32, #tpu.memory_space<hbm>>) target(%dma_start3A_73 : memref<2x128xi32, #tpu.memory_space<vmem>>) target_semaphore(%arg10 : memref<!tpu.dma_semaphore, #tpu.memory_space<semaphore_mem>>)
      } else {
      }
    }
    %while3A_28 = arith.constant 1 : i32
    scf.for %while3A_30 = %while3A_26 to %while3A_22 step %while3A_28  : i32 {
      %mul3A_31 = arith.muli %while3A_30, %while3A : i32
      %add3A_32 = arith.addi %while3A_19, %mul3A_31 : i32
      %rem3A = arith.constant 3 : i32
      %rem3A_33 = arith.remsi %add3A_32, %rem3A : i32
      %rem3A_34 = arith.constant 4 : i32
      %rem3A_35 = arith.remsi %add3A_32, %rem3A_34 : i32
      %dma_wait3A = arith.constant 0 : i32
      %dma_wait3A_36 = arith.constant 0 : i32
      %dma_wait3A_37 = tpu.memref_slice %arg7[%rem3A_33, %dma_wait3A, %dma_wait3A_36] : memref<3x128x128xf32, #tpu.memory_space<vmem>> -> memref<1x128x128xf32, #tpu.memory_space<vmem>>
      %dma_wait3A_38 = tpu.memref_squeeze %dma_wait3A_37 : memref<1x128x128xf32, #tpu.memory_space<vmem>> -> memref<128x128xf32, #tpu.memory_space<vmem>>
      %dma_wait3A_39 = arith.constant 0 : i32
      %dma_wait3A_40 = arith.constant 0 : i32
      %dma_wait3A_41 = tpu.memref_slice %arg4[%dma_wait3A_39, %dma_wait3A_40] : memref<10112x128xf32, #tpu.memory_space<hbm>> -> memref<128x128xf32, #tpu.memory_space<hbm>>
      %dma_wait3A_42 = arith.constant 0 : i32
      %dma_wait3A_43 = arith.constant 0 : i32
      %dma_wait3A_44 = tpu.memref_slice %arg7[%rem3A_33, %dma_wait3A_42, %dma_wait3A_43] : memref<3x128x128xf32, #tpu.memory_space<vmem>> -> memref<1x128x128xf32, #tpu.memory_space<vmem>>
      %dma_wait3A_45 = tpu.memref_squeeze %dma_wait3A_44 : memref<1x128x128xf32, #tpu.memory_space<vmem>> -> memref<128x128xf32, #tpu.memory_space<vmem>>
      %dma_wait3A_46 = arith.constant 0 : i32
      %dma_wait3A_47 = arith.constant 0 : i32
      %dma_wait3A_48 = tpu.memref_slice %arg4[%dma_wait3A_46, %dma_wait3A_47] : memref<10112x128xf32, #tpu.memory_space<hbm>> -> memref<128x128xf32, #tpu.memory_space<hbm>>
      tpu.wait_dma2 semaphore(%arg9 : memref<!tpu.dma_semaphore, #tpu.memory_space<semaphore_mem>>) src(%dma_wait3A_48 : memref<128x128xf32, #tpu.memory_space<hbm>>) dst(%dma_wait3A_45 : memref<128x128xf32, #tpu.memory_space<vmem>>)
      %add3A_49 = arith.constant 2 : i32
      %add3A_50 = arith.addi %add3A_32, %add3A_49 : i32
      %lt3A = arith.cmpi slt, %add3A_50, %select_n3A_8 : i32
      %convert_element_type3A_51 = arith.extui %lt3A : i1 to i32
      %cond3A_52 = arith.constant 0 : i32
      %cond3A_53 = arith.cmpi ne, %convert_element_type3A_51, %cond3A_52 : i32
      scf.if %cond3A_53 {
        %add3A_60 = arith.constant 2 : i32
        %add3A_61 = arith.addi %add3A_32, %add3A_60 : i32
        %rem3A_62 = arith.constant 4 : i32
        %rem3A_63 = arith.remsi %add3A_61, %rem3A_62 : i32
        %dma_wait3A_64 = arith.constant 0 : i32
        %dma_wait3A_65 = arith.constant 0 : i32
        %dma_wait3A_66 = arith.constant 0 : i32
        %dma_wait3A_67 = tpu.memref_slice %arg6[%rem3A_63, %dma_wait3A_65, %dma_wait3A_66] : memref<4x2x128xi32, #tpu.memory_space<vmem>> -> memref<1x2x128xi32, #tpu.memory_space<vmem>>
        %dma_wait3A_68 = tpu.memref_squeeze %dma_wait3A_67 : memref<1x2x128xi32, #tpu.memory_space<vmem>> -> memref<2x128xi32, #tpu.memory_space<vmem>>
        %dma_wait3A_69 = arith.constant 0 : i32
        %dma_wait3A_70 = arith.constant 0 : i32
        %dma_wait3A_71 = tpu.memref_slice %arg3[%dma_wait3A_64, %dma_wait3A_69, %dma_wait3A_70] : memref<2528x2x128xi32, #tpu.memory_space<hbm>> -> memref<1x2x128xi32, #tpu.memory_space<hbm>>
        %dma_wait3A_72 = tpu.memref_squeeze %dma_wait3A_71 : memref<1x2x128xi32, #tpu.memory_space<hbm>> -> memref<2x128xi32, #tpu.memory_space<hbm>>
        %dma_wait3A_73 = arith.constant 0 : i32
        %dma_wait3A_74 = arith.constant 0 : i32
        %dma_wait3A_75 = tpu.memref_slice %arg6[%rem3A_63, %dma_wait3A_73, %dma_wait3A_74] : memref<4x2x128xi32, #tpu.memory_space<vmem>> -> memref<1x2x128xi32, #tpu.memory_space<vmem>>
        %dma_wait3A_76 = tpu.memref_squeeze %dma_wait3A_75 : memref<1x2x128xi32, #tpu.memory_space<vmem>> -> memref<2x128xi32, #tpu.memory_space<vmem>>
        %dma_wait3A_77 = arith.constant 0 : i32
        %dma_wait3A_78 = arith.constant 0 : i32
        %dma_wait3A_79 = tpu.memref_slice %arg3[%dma_wait3A_64, %dma_wait3A_77, %dma_wait3A_78] : memref<2528x2x128xi32, #tpu.memory_space<hbm>> -> memref<1x2x128xi32, #tpu.memory_space<hbm>>
        %dma_wait3A_80 = tpu.memref_squeeze %dma_wait3A_79 : memref<1x2x128xi32, #tpu.memory_space<hbm>> -> memref<2x128xi32, #tpu.memory_space<hbm>>
        tpu.wait_dma2 semaphore(%arg10 : memref<!tpu.dma_semaphore, #tpu.memory_space<semaphore_mem>>) src(%dma_wait3A_80 : memref<2x128xi32, #tpu.memory_space<hbm>>) dst(%dma_wait3A_76 : memref<2x128xi32, #tpu.memory_space<vmem>>)
        %add3A_81 = arith.constant 2 : i32
        %add3A_82 = arith.addi %add3A_32, %add3A_81 : i32
        %rem3A_83 = arith.constant 3 : i32
        %rem3A_84 = arith.remsi %add3A_82, %rem3A_83 : i32
        %dma_start3A = arith.constant 0 : i32
        %dma_start3A_85 = arith.constant 0 : i32
        %dma_start3A_86 = arith.constant 0 : i32
        %dma_start3A_87 = tpu.memref_slice %arg7[%rem3A_84, %dma_start3A_85, %dma_start3A_86] : memref<3x128x128xf32, #tpu.memory_space<vmem>> -> memref<1x128x128xf32, #tpu.memory_space<vmem>>
        %dma_start3A_88 = tpu.memref_squeeze %dma_start3A_87 : memref<1x128x128xf32, #tpu.memory_space<vmem>> -> memref<128x128xf32, #tpu.memory_space<vmem>>
        %dma_start3A_89 = arith.constant 0 : i32
        %dma_start3A_90 = tpu.memref_slice %arg6[%rem3A_63, %dma_start3A, %dma_start3A_89] : memref<4x2x128xi32, #tpu.memory_space<vmem>> -> memref<1x1x128xi32, #tpu.memory_space<vmem>>
        %dma_start3A_91 = tpu.memref_squeeze %dma_start3A_90 : memref<1x1x128xi32, #tpu.memory_space<vmem>> -> memref<128xi32, #tpu.memory_space<vmem>>
        %dma_start3A_92 = arith.constant 0 : i32
        %dma_start3A_93 = arith.constant 0 : i32
        %dma_start3A_94 = tpu.memref_slice %arg2[%dma_start3A_92, %dma_start3A_93] : memref<10000x128xf32, #tpu.memory_space<hbm>> -> memref<10000x128xf32, #tpu.memory_space<hbm>>
        tpu.enqueue_indirect_dma source(%dma_start3A_94 : memref<10000x128xf32, #tpu.memory_space<hbm>>) target(%dma_start3A_88 : memref<128x128xf32, #tpu.memory_space<vmem>>) offsets(%dma_start3A_91 : memref<128xi32, #tpu.memory_space<vmem>>) semaphore(%arg9 : memref<!tpu.dma_semaphore, #tpu.memory_space<semaphore_mem>>)
      } else {
      }
      %run_scoped3A = arith.constant 1 : i32
      "tpu.region"() ({
        %run_scoped3A_60 = tpu.sem_alloc : memref<!tpu.dma_semaphore, #tpu.memory_space<semaphore_mem>>
        %dma_start3A = arith.constant 0 : i32
        %dma_start3A_61 = arith.constant 0 : i32
        %dma_start3A_62 = tpu.memref_slice %arg7[%rem3A_33, %dma_start3A, %dma_start3A_61] : memref<3x128x128xf32, #tpu.memory_space<vmem>> -> memref<1x128x128xf32, #tpu.memory_space<vmem>>
        %dma_start3A_63 = tpu.memref_squeeze %dma_start3A_62 : memref<1x128x128xf32, #tpu.memory_space<vmem>> -> memref<128x128xf32, #tpu.memory_space<vmem>>
        %dma_start3A_64 = arith.constant 0 : i32
        %dma_start3A_65 = tpu.memref_slice %arg6[%rem3A_35, %run_scoped3A, %dma_start3A_64] : memref<4x2x128xi32, #tpu.memory_space<vmem>> -> memref<1x1x128xi32, #tpu.memory_space<vmem>>
        %dma_start3A_66 = tpu.memref_squeeze %dma_start3A_65 : memref<1x1x128xi32, #tpu.memory_space<vmem>> -> memref<128xi32, #tpu.memory_space<vmem>>
        %dma_start3A_67 = arith.constant 0 : i32
        %dma_start3A_68 = arith.constant 0 : i32
        %dma_start3A_69 = tpu.memref_slice %arg8[%dma_start3A_67, %dma_start3A_68] : memref<10112x128xf32, #tpu.memory_space<vmem_shared>> -> memref<10112x128xf32, #tpu.memory_space<vmem_shared>>
        tpu.enqueue_indirect_dma source(%dma_start3A_63 : memref<128x128xf32, #tpu.memory_space<vmem>>) target(%dma_start3A_69 : memref<10112x128xf32, #tpu.memory_space<vmem_shared>>) offsets(%dma_start3A_66 : memref<128xi32, #tpu.memory_space<vmem>>) semaphore(%run_scoped3A_60 : memref<!tpu.dma_semaphore, #tpu.memory_space<semaphore_mem>>) {add = true}
        %dma_wait3A_70 = arith.constant 0 : i32
        %dma_wait3A_71 = arith.constant 0 : i32
        %dma_wait3A_72 = tpu.memref_slice %arg7[%rem3A_33, %dma_wait3A_70, %dma_wait3A_71] : memref<3x128x128xf32, #tpu.memory_space<vmem>> -> memref<1x128x128xf32, #tpu.memory_space<vmem>>
        %dma_wait3A_73 = tpu.memref_squeeze %dma_wait3A_72 : memref<1x128x128xf32, #tpu.memory_space<vmem>> -> memref<128x128xf32, #tpu.memory_space<vmem>>
        %dma_wait3A_74 = arith.constant 0 : i32
        %dma_wait3A_75 = tpu.memref_slice %arg6[%rem3A_35, %run_scoped3A, %dma_wait3A_74] : memref<4x2x128xi32, #tpu.memory_space<vmem>> -> memref<1x1x128xi32, #tpu.memory_space<vmem>>
        %dma_wait3A_76 = tpu.memref_squeeze %dma_wait3A_75 : memref<1x1x128xi32, #tpu.memory_space<vmem>> -> memref<128xi32, #tpu.memory_space<vmem>>
        %dma_wait3A_77 = arith.constant 0 : i32
        %dma_wait3A_78 = arith.constant 0 : i32
        %dma_wait3A_79 = tpu.memref_slice %arg8[%dma_wait3A_77, %dma_wait3A_78] : memref<10112x128xf32, #tpu.memory_space<vmem_shared>> -> memref<10112x128xf32, #tpu.memory_space<vmem_shared>>
        tpu.wait_indirect_dma semaphore(%run_scoped3A_60 : memref<!tpu.dma_semaphore, #tpu.memory_space<semaphore_mem>>) src(%dma_wait3A_73 : memref<128x128xf32, #tpu.memory_space<vmem>>) dst(%dma_wait3A_79 : memref<10112x128xf32, #tpu.memory_space<vmem_shared>>)
        tpu.yield
      }) : () -> ()
      %add3A_54 = arith.constant 4 : i32
      %add3A_55 = arith.addi %add3A_32, %add3A_54 : i32
      %lt3A_56 = arith.cmpi slt, %add3A_55, %select_n3A_8 : i32
      %convert_element_type3A_57 = arith.extui %lt3A_56 : i1 to i32
      %cond3A_58 = arith.constant 0 : i32
      %cond3A_59 = arith.cmpi ne, %convert_element_type3A_57, %cond3A_58 : i32
      scf.if %cond3A_59 {
        %add3A_60 = arith.addi %select_n3A, %add3A_32 : i32
        %add3A_61 = arith.constant 4 : i32
        %add3A_62 = arith.addi %add3A_60, %add3A_61 : i32
        %dma_start3A = arith.constant 0 : i32
        %dma_start3A_63 = arith.constant 0 : i32
        %dma_start3A_64 = tpu.memref_slice %arg6[%rem3A_35, %dma_start3A, %dma_start3A_63] : memref<4x2x128xi32, #tpu.memory_space<vmem>> -> memref<1x2x128xi32, #tpu.memory_space<vmem>>
        %dma_start3A_65 = tpu.memref_squeeze %dma_start3A_64 : memref<1x2x128xi32, #tpu.memory_space<vmem>> -> memref<2x128xi32, #tpu.memory_space<vmem>>
        %dma_start3A_66 = arith.constant 0 : i32
        %dma_start3A_67 = arith.constant 0 : i32
        %dma_start3A_68 = tpu.memref_slice %arg3[%add3A_62, %dma_start3A_66, %dma_start3A_67] : memref<2528x2x128xi32, #tpu.memory_space<hbm>> -> memref<1x2x128xi32, #tpu.memory_space<hbm>>
        %dma_start3A_69 = tpu.memref_squeeze %dma_start3A_68 : memref<1x2x128xi32, #tpu.memory_space<hbm>> -> memref<2x128xi32, #tpu.memory_space<hbm>>
        %dma_start3A_70 = arith.constant 0 : i32
        %dma_start3A_71 = arith.constant 0 : i32
        %dma_start3A_72 = tpu.memref_slice %arg6[%rem3A_35, %dma_start3A_70, %dma_start3A_71] : memref<4x2x128xi32, #tpu.memory_space<vmem>> -> memref<1x2x128xi32, #tpu.memory_space<vmem>>
        %dma_start3A_73 = tpu.memref_squeeze %dma_start3A_72 : memref<1x2x128xi32, #tpu.memory_space<vmem>> -> memref<2x128xi32, #tpu.memory_space<vmem>>
        %dma_start3A_74 = arith.constant 0 : i32
        %dma_start3A_75 = arith.constant 0 : i32
        %dma_start3A_76 = tpu.memref_slice %arg3[%add3A_62, %dma_start3A_74, %dma_start3A_75] : memref<2528x2x128xi32, #tpu.memory_space<hbm>> -> memref<1x2x128xi32, #tpu.memory_space<hbm>>
        %dma_start3A_77 = tpu.memref_squeeze %dma_start3A_76 : memref<1x2x128xi32, #tpu.memory_space<hbm>> -> memref<2x128xi32, #tpu.memory_space<hbm>>
        tpu.enqueue_dma source(%dma_start3A_77 : memref<2x128xi32, #tpu.memory_space<hbm>>) target(%dma_start3A_73 : memref<2x128xi32, #tpu.memory_space<vmem>>) target_semaphore(%arg10 : memref<!tpu.dma_semaphore, #tpu.memory_space<semaphore_mem>>)
      } else {
      }
    }
    %barrier3A_29 = arith.constant 0 : index
    tpu.barrier barrier_id(%barrier3A_29)
    "tpu.region"() ({
      %run_scoped3A = tpu.sem_alloc : memref<!tpu.dma_semaphore, #tpu.memory_space<semaphore_mem>>
      %dma_start3A = arith.constant 0 : i32
      %dma_start3A_30 = tpu.memref_slice %arg5[%arg0, %mul3A_10, %dma_start3A] : memref<2x10112x128xf32, #tpu.memory_space<hbm>> -> memref<1x632x128xf32, #tpu.memory_space<hbm>>
      %dma_start3A_31 = tpu.memref_squeeze %dma_start3A_30 : memref<1x632x128xf32, #tpu.memory_space<hbm>> -> memref<632x128xf32, #tpu.memory_space<hbm>>
      %dma_start3A_32 = arith.constant 0 : i32
      %dma_start3A_33 = tpu.memref_slice %arg8[%mul3A_10, %dma_start3A_32] : memref<10112x128xf32, #tpu.memory_space<vmem_shared>> -> memref<632x128xf32, #tpu.memory_space<vmem_shared>>
      tpu.enqueue_dma source(%dma_start3A_33 : memref<632x128xf32, #tpu.memory_space<vmem_shared>>) target(%dma_start3A_31 : memref<632x128xf32, #tpu.memory_space<hbm>>) target_semaphore(%run_scoped3A : memref<!tpu.dma_semaphore, #tpu.memory_space<semaphore_mem>>)
      %dma_wait3A = arith.constant 0 : i32
      %dma_wait3A_34 = tpu.memref_slice %arg5[%arg0, %mul3A_10, %dma_wait3A] : memref<2x10112x128xf32, #tpu.memory_space<hbm>> -> memref<1x632x128xf32, #tpu.memory_space<hbm>>
      %dma_wait3A_35 = tpu.memref_squeeze %dma_wait3A_34 : memref<1x632x128xf32, #tpu.memory_space<hbm>> -> memref<632x128xf32, #tpu.memory_space<hbm>>
      %dma_wait3A_36 = arith.constant 0 : i32
      %dma_wait3A_37 = tpu.memref_slice %arg8[%mul3A_10, %dma_wait3A_36] : memref<10112x128xf32, #tpu.memory_space<vmem_shared>> -> memref<632x128xf32, #tpu.memory_space<vmem_shared>>
      tpu.wait_dma2 semaphore(%run_scoped3A : memref<!tpu.dma_semaphore, #tpu.memory_space<semaphore_mem>>) src(%dma_wait3A_37 : memref<632x128xf32, #tpu.memory_space<vmem_shared>>) dst(%dma_wait3A_35 : memref<632x128xf32, #tpu.memory_space<hbm>>)
      tpu.yield
    }) : () -> ()
    return
  }
}

module attributes {stable_mosaic.version = 14 : i64} {
  func.func @_tc1_body(%arg0: i32, %arg1: memref<1000x128xf32, #tpu.memory_space<vmem>>, %arg2: memref<128x128xf32, #tpu.memory_space<vmem>>, %arg3: memref<1000x2xf32, #tpu.memory_space<vmem>>, %arg4: memref<1000x128xf32, #tpu.memory_space<vmem>>, %arg5: memref<1000x1xf32, #tpu.memory_space<vmem>>) attributes {dimension_semantics = [#tpu.dimension_semantics<arbitrary>], iteration_bounds = array<i64: 10>, scalar_prefetch = 0 : i64, scratch_operands = 0 : i64, tpu.core_type = #tpu.core_type<tc>, window_params = [{transform_indices = @transform_0, window_bounds = array<i64: 1000, 128>}, {pipeline_mode = #tpu.pipeline_mode<synchronous>, transform_indices = @transform_1, window_bounds = array<i64: 128, 128>}, {transform_indices = @transform_2, window_bounds = array<i64: 1000, 2>}, {transform_indices = @transform_3, window_bounds = array<i64: 1000, 128>}, {transform_indices = @transform_4, window_bounds = array<i64: 1000, 1>}]} {
    %get3A = arith.constant 0 : index
    %get3A_0 = arith.constant 0 : index
    %get3A_1 = vector.load %arg3[%get3A, %get3A_0] : memref<1000x2xf32, #tpu.memory_space<vmem>>, vector<1000x1xf32>
    %get3A_2 = arith.constant 0 : index
    %get3A_3 = arith.constant 1 : index
    %get3A_4 = vector.load %arg3[%get3A_2, %get3A_3] : memref<1000x2xf32, #tpu.memory_space<vmem>>, vector<1000x1xf32>
    %add3A = arith.addf %get3A_1, %get3A_4 : vector<1000x1xf32>
    %add3A_5 = arith.constant 1.000000e+00 : f32
    %add3A_6 = vector.broadcast %add3A_5 : f32 to vector<1000x1xf32>
    %add3A_7 = arith.addf %add3A, %add3A_6 : vector<1000x1xf32>
    %rsqrt3A = math.rsqrt %add3A_7 : vector<1000x1xf32>
    %swap3A = arith.constant 0 : index
    %swap3A_8 = arith.constant 0 : index
    %swap3A_9 = vector.load %arg5[%swap3A, %swap3A_8] : memref<1000x1xf32, #tpu.memory_space<vmem>>, vector<1000x1xf32>
    tpu.vector_store %arg5[%swap3A, %swap3A_8], %rsqrt3A {strides = array<i32>} : memref<1000x1xf32, #tpu.memory_space<vmem>>, vector<1000x1xf32>,
    %get3A_10 = arith.constant 0 : index
    %get3A_11 = arith.constant 0 : index
    %get3A_12 = vector.load %arg1[%get3A_10, %get3A_11] : memref<1000x128xf32, #tpu.memory_space<vmem>>, vector<1000x128xf32>
    %get3A_13 = arith.constant 0 : index
    %get3A_14 = arith.constant 0 : index
    %get3A_15 = vector.load %arg2[%get3A_13, %get3A_14] : memref<128x128xf32, #tpu.memory_space<vmem>>, vector<128x128xf32>
    %dot_general3A = arith.constant dense<0.000000e+00> : vector<1000x128xf32>
    %dot_general3A_16 = tpu.matmul %get3A_12, %get3A_15, %dot_general3A {dimension_numbers = #tpu.dot_dimension_numbers<[1], [0], [0], [1], [0, 0, 1, 1], [], []>, transpose_lhs_hint = false} : vector<1000x128xf32>, vector<128x128xf32>, vector<1000x128xf32> -> vector<1000x128xf32>
    %mul3A = vector.broadcast %rsqrt3A : vector<1000x1xf32> to vector<1000x128xf32>
    %mul3A_17 = arith.mulf %dot_general3A_16, %mul3A : vector<1000x128xf32>
    %swap3A_18 = arith.constant 0 : index
    %swap3A_19 = arith.constant 0 : index
    %swap3A_20 = vector.load %arg4[%swap3A_18, %swap3A_19] : memref<1000x128xf32, #tpu.memory_space<vmem>>, vector<1000x128xf32>
    tpu.vector_store %arg4[%swap3A_18, %swap3A_19], %mul3A_17 {strides = array<i32>} : memref<1000x128xf32, #tpu.memory_space<vmem>>, vector<1000x128xf32>,
    return
  }
  func.func @transform_0(%arg0: i32) -> (i32, i32) {
    %c0_i32 = arith.constant 0 : i32
    %c0_i32_0 = arith.constant 0 : i32
    return %arg0, %c0_i32 : i32, i32
  }
  func.func @transform_1(%arg0: i32) -> (i32, i32) {
    %c0_i32 = arith.constant 0 : i32
    %c0_i32_0 = arith.constant 0 : i32
    %c0_i32_1 = arith.constant 0 : i32
    return %c0_i32, %c0_i32_0 : i32, i32
  }
  func.func @transform_2(%arg0: i32) -> (i32, i32) {
    %c0_i32 = arith.constant 0 : i32
    %c0_i32_0 = arith.constant 0 : i32
    return %arg0, %c0_i32 : i32, i32
  }
  func.func @transform_3(%arg0: i32) -> (i32, i32) {
    %c0_i32 = arith.constant 0 : i32
    %c0_i32_0 = arith.constant 0 : i32
    return %arg0, %c0_i32 : i32, i32
  }
  func.func @transform_4(%arg0: i32) -> (i32, i32) {
    %c0_i32 = arith.constant 0 : i32
    %c0_i32_0 = arith.constant 0 : i32
    return %arg0, %c0_i32 : i32, i32
  }
}

module attributes {stable_mosaic.version = 14 : i64} {
  func.func @_tc2_body(%arg0: i32, %arg1: memref<1000x128xf32, #tpu.memory_space<vmem>>, %arg2: memref<1000x128xf32, #tpu.memory_space<vmem>>, %arg3: memref<1000x128xf32, #tpu.memory_space<vmem>>, %arg4: memref<1000x1xf32, #tpu.memory_space<vmem>>, %arg5: memref<1x128xf32, #tpu.memory_space<vmem>>, %arg6: memref<128x128xf32, #tpu.memory_space<vmem>>, %arg7: memref<1000x128xf32, #tpu.memory_space<vmem>>) attributes {dimension_semantics = [#tpu.dimension_semantics<arbitrary>], iteration_bounds = array<i64: 10>, scalar_prefetch = 0 : i64, scratch_operands = 0 : i64, tpu.core_type = #tpu.core_type<tc>, window_params = [{transform_indices = @transform_0, window_bounds = array<i64: 1000, 128>}, {transform_indices = @transform_1, window_bounds = array<i64: 1000, 128>}, {transform_indices = @transform_2, window_bounds = array<i64: 1000, 128>}, {transform_indices = @transform_3, window_bounds = array<i64: 1000, 1>}, {pipeline_mode = #tpu.pipeline_mode<synchronous>, transform_indices = @transform_4, window_bounds = array<i64: 1, 128>}, {pipeline_mode = #tpu.pipeline_mode<synchronous>, transform_indices = @transform_5, window_bounds = array<i64: 128, 128>}, {transform_indices = @transform_6, window_bounds = array<i64: 1000, 128>}]} {
    %get3A = arith.constant 0 : index
    %get3A_0 = arith.constant 0 : index
    %get3A_1 = vector.load %arg4[%get3A, %get3A_0] : memref<1000x1xf32, #tpu.memory_space<vmem>>, vector<1000x1xf32>
    %get3A_2 = arith.constant 0 : index
    %get3A_3 = arith.constant 0 : index
    %get3A_4 = vector.load %arg1[%get3A_2, %get3A_3] : memref<1000x128xf32, #tpu.memory_space<vmem>>, vector<1000x128xf32>
    %get3A_5 = arith.constant 0 : index
    %get3A_6 = arith.constant 0 : index
    %get3A_7 = vector.load %arg2[%get3A_5, %get3A_6] : memref<1000x128xf32, #tpu.memory_space<vmem>>, vector<1000x128xf32>
    %add3A = arith.addf %get3A_4, %get3A_7 : vector<1000x128xf32>
    %get3A_8 = arith.constant 0 : index
    %get3A_9 = arith.constant 0 : index
    %get3A_10 = vector.load %arg3[%get3A_8, %get3A_9] : memref<1000x128xf32, #tpu.memory_space<vmem>>, vector<1000x128xf32>
    %add3A_11 = arith.addf %add3A, %get3A_10 : vector<1000x128xf32>
    %mul3A = vector.broadcast %get3A_1 : vector<1000x1xf32> to vector<1000x128xf32>
    %mul3A_12 = arith.mulf %add3A_11, %mul3A : vector<1000x128xf32>
    %get3A_13 = arith.constant 0 : index
    %get3A_14 = arith.constant 0 : index
    %get3A_15 = vector.load %arg5[%get3A_13, %get3A_14] : memref<1x128xf32, #tpu.memory_space<vmem>>, vector<1x128xf32>
    %add3A_16 = vector.broadcast %get3A_15 : vector<1x128xf32> to vector<1000x128xf32>
    %add3A_17 = arith.addf %mul3A_12, %add3A_16 : vector<1000x128xf32>
    %max3A = arith.constant 0.000000e+00 : f32
    %max3A_18 = vector.broadcast %max3A : f32 to vector<1000x128xf32>
    %max3A_19 = arith.maximumf %add3A_17, %max3A_18 : vector<1000x128xf32>
    %get3A_20 = arith.constant 0 : index
    %get3A_21 = arith.constant 0 : index
    %get3A_22 = vector.load %arg6[%get3A_20, %get3A_21] : memref<128x128xf32, #tpu.memory_space<vmem>>, vector<128x128xf32>
    %dot_general3A = arith.constant dense<0.000000e+00> : vector<1000x128xf32>
    %dot_general3A_23 = tpu.matmul %max3A_19, %get3A_22, %dot_general3A {dimension_numbers = #tpu.dot_dimension_numbers<[1], [0], [0], [1], [0, 0, 1, 1], [], []>, transpose_lhs_hint = false} : vector<1000x128xf32>, vector<128x128xf32>, vector<1000x128xf32> -> vector<1000x128xf32>
    %mul3A_24 = vector.broadcast %get3A_1 : vector<1000x1xf32> to vector<1000x128xf32>
    %mul3A_25 = arith.mulf %dot_general3A_23, %mul3A_24 : vector<1000x128xf32>
    %swap3A = arith.constant 0 : index
    %swap3A_26 = arith.constant 0 : index
    %swap3A_27 = vector.load %arg7[%swap3A, %swap3A_26] : memref<1000x128xf32, #tpu.memory_space<vmem>>, vector<1000x128xf32>
    tpu.vector_store %arg7[%swap3A, %swap3A_26], %mul3A_25 {strides = array<i32>} : memref<1000x128xf32, #tpu.memory_space<vmem>>, vector<1000x128xf32>,
    return
  }
  func.func @transform_0(%arg0: i32) -> (i32, i32) {
    %c0_i32 = arith.constant 0 : i32
    %c0_i32_0 = arith.constant 0 : i32
    return %arg0, %c0_i32 : i32, i32
  }
  func.func @transform_1(%arg0: i32) -> (i32, i32) {
    %c0_i32 = arith.constant 0 : i32
    %c0_i32_0 = arith.constant 0 : i32
    return %arg0, %c0_i32 : i32, i32
  }
  func.func @transform_2(%arg0: i32) -> (i32, i32) {
    %c0_i32 = arith.constant 0 : i32
    %c0_i32_0 = arith.constant 0 : i32
    return %arg0, %c0_i32 : i32, i32
  }
  func.func @transform_3(%arg0: i32) -> (i32, i32) {
    %c0_i32 = arith.constant 0 : i32
    %c0_i32_0 = arith.constant 0 : i32
    return %arg0, %c0_i32 : i32, i32
  }
  func.func @transform_4(%arg0: i32) -> (i32, i32) {
    %c0_i32 = arith.constant 0 : i32
    %c0_i32_0 = arith.constant 0 : i32
    %c0_i32_1 = arith.constant 0 : i32
    return %c0_i32, %c0_i32_0 : i32, i32
  }
  func.func @transform_5(%arg0: i32) -> (i32, i32) {
    %c0_i32 = arith.constant 0 : i32
    %c0_i32_0 = arith.constant 0 : i32
    %c0_i32_1 = arith.constant 0 : i32
    return %c0_i32, %c0_i32_0 : i32, i32
  }
  func.func @transform_6(%arg0: i32) -> (i32, i32) {
    %c0_i32 = arith.constant 0 : i32
    %c0_i32_0 = arith.constant 0 : i32
    return %arg0, %c0_i32 : i32, i32
  }
}

module attributes {stable_mosaic.version = 14 : i64} {
  func.func @_tc3_body(%arg0: i32, %arg1: memref<1000x128xf32, #tpu.memory_space<vmem>>, %arg2: memref<1000x128xf32, #tpu.memory_space<vmem>>, %arg3: memref<1000x128xf32, #tpu.memory_space<vmem>>, %arg4: memref<1000x1xf32, #tpu.memory_space<vmem>>, %arg5: memref<1x128xf32, #tpu.memory_space<vmem>>, %arg6: memref<1x1x1000xi32, #tpu.memory_space<vmem>>, %arg7: memref<128x128xf32, #tpu.memory_space<vmem>>, %arg8: memref<1x128xf32, #tpu.memory_space<vmem>>, %arg9: memref<64x128xf32, #tpu.memory_space<vmem>>, %arg10: memref<64x128xf32, #tpu.memory_space<vmem>>) attributes {dimension_semantics = [#tpu.dimension_semantics<arbitrary>], iteration_bounds = array<i64: 10>, scalar_prefetch = 0 : i64, scratch_operands = 1 : i64, tpu.core_type = #tpu.core_type<tc>, window_params = [{transform_indices = @transform_0, window_bounds = array<i64: 1000, 128>}, {transform_indices = @transform_1, window_bounds = array<i64: 1000, 128>}, {transform_indices = @transform_2, window_bounds = array<i64: 1000, 128>}, {transform_indices = @transform_3, window_bounds = array<i64: 1000, 1>}, {pipeline_mode = #tpu.pipeline_mode<synchronous>, transform_indices = @transform_4, window_bounds = array<i64: 1, 128>}, {transform_indices = @transform_5, window_bounds = array<i64: 1, 1, 1000>}, {pipeline_mode = #tpu.pipeline_mode<synchronous>, transform_indices = @transform_6, window_bounds = array<i64: 128, 128>}, {pipeline_mode = #tpu.pipeline_mode<synchronous>, transform_indices = @transform_7, window_bounds = array<i64: 1, 128>}, {pipeline_mode = #tpu.pipeline_mode<synchronous>, transform_indices = @transform_8, window_bounds = array<i64: 64, 128>}]} {
    %eq3A = arith.constant 0 : i32
    %eq3A_0 = arith.cmpi eq, %arg0, %eq3A : i32
    %convert_element_type3A = arith.extui %eq3A_0 : i1 to i32
    %cond3A = arith.constant 0 : i32
    %cond3A_1 = arith.cmpi ne, %convert_element_type3A, %cond3A : i32
    scf.if %cond3A_1 {
      %broadcast_in_dim3A_43 = arith.constant 0.000000e+00 : f32
      %broadcast_in_dim3A_44 = vector.broadcast %broadcast_in_dim3A_43 : f32 to vector<64x128xf32>
      %swap3A_45 = arith.constant 0 : index
      %swap3A_46 = arith.constant 0 : index
      %swap3A_47 = vector.load %arg10[%swap3A_45, %swap3A_46] : memref<64x128xf32, #tpu.memory_space<vmem>>, vector<64x128xf32>
      tpu.vector_store %arg10[%swap3A_45, %swap3A_46], %broadcast_in_dim3A_44 {strides = array<i32>} : memref<64x128xf32, #tpu.memory_space<vmem>>, vector<64x128xf32>,
    } else {
    }
    %get3A = arith.constant 0 : index
    %get3A_2 = arith.constant 0 : index
    %get3A_3 = vector.load %arg1[%get3A, %get3A_2] : memref<1000x128xf32, #tpu.memory_space<vmem>>, vector<1000x128xf32>
    %get3A_4 = arith.constant 0 : index
    %get3A_5 = arith.constant 0 : index
    %get3A_6 = vector.load %arg2[%get3A_4, %get3A_5] : memref<1000x128xf32, #tpu.memory_space<vmem>>, vector<1000x128xf32>
    %add3A = arith.addf %get3A_3, %get3A_6 : vector<1000x128xf32>
    %get3A_7 = arith.constant 0 : index
    %get3A_8 = arith.constant 0 : index
    %get3A_9 = vector.load %arg3[%get3A_7, %get3A_8] : memref<1000x128xf32, #tpu.memory_space<vmem>>, vector<1000x128xf32>
    %add3A_10 = arith.addf %add3A, %get3A_9 : vector<1000x128xf32>
    %get3A_11 = arith.constant 0 : index
    %get3A_12 = arith.constant 0 : index
    %get3A_13 = vector.load %arg4[%get3A_11, %get3A_12] : memref<1000x1xf32, #tpu.memory_space<vmem>>, vector<1000x1xf32>
    %mul3A = vector.broadcast %get3A_13 : vector<1000x1xf32> to vector<1000x128xf32>
    %mul3A_14 = arith.mulf %add3A_10, %mul3A : vector<1000x128xf32>
    %get3A_15 = arith.constant 0 : index
    %get3A_16 = arith.constant 0 : index
    %get3A_17 = vector.load %arg5[%get3A_15, %get3A_16] : memref<1x128xf32, #tpu.memory_space<vmem>>, vector<1x128xf32>
    %add3A_18 = vector.broadcast %get3A_17 : vector<1x128xf32> to vector<1000x128xf32>
    %add3A_19 = arith.addf %mul3A_14, %add3A_18 : vector<1000x128xf32>
    %max3A = arith.constant 0.000000e+00 : f32
    %max3A_20 = vector.broadcast %max3A : f32 to vector<1000x128xf32>
    %max3A_21 = arith.maximumf %add3A_19, %max3A_20 : vector<1000x128xf32>
    %iota3A = tpu.iota {dimensions = array<i32: 0>} : vector<64x1000xi32>
    %get3A_22 = arith.constant 0 : index
    %get3A_23 = arith.constant 0 : index
    %get3A_24 = arith.constant 0 : index
    %get3A_25 = vector.load %arg6[%get3A_22, %get3A_23, %get3A_24] : memref<1x1x1000xi32, #tpu.memory_space<vmem>>, vector<1x1x1000xi32>
    %get3A_26 = vector.shape_cast %get3A_25 : vector<1x1x1000xi32> to vector<1x1000xi32>
    %eq3A_27 = vector.broadcast %get3A_26 : vector<1x1000xi32> to vector<64x1000xi32>
    %eq3A_28 = arith.cmpi eq, %iota3A, %eq3A_27 : vector<64x1000xi32>
    %jit3A = arith.constant 1.000000e+00 : f32
    %jit3A_29 = arith.constant 0.000000e+00 : f32
    %broadcast_in_dim3A = vector.broadcast %jit3A : f32 to vector<64x1000xf32>
    %broadcast_in_dim3A_30 = vector.broadcast %jit3A_29 : f32 to vector<64x1000xf32>
    %select_n3A = arith.select %eq3A_28, %broadcast_in_dim3A, %broadcast_in_dim3A_30 : vector<64x1000xi1>, vector<64x1000xf32>
    %get3A_31 = arith.constant 0 : index
    %get3A_32 = arith.constant 0 : index
    %get3A_33 = vector.load %arg10[%get3A_31, %get3A_32] : memref<64x128xf32, #tpu.memory_space<vmem>>, vector<64x128xf32>
    %dot_general3A = arith.constant dense<0.000000e+00> : vector<64x128xf32>
    %dot_general3A_34 = tpu.matmul %select_n3A, %max3A_21, %dot_general3A {dimension_numbers = #tpu.dot_dimension_numbers<[1], [0], [0], [1], [0, 0, 1, 1], [], []>, transpose_lhs_hint = false} : vector<64x1000xf32>, vector<1000x128xf32>, vector<64x128xf32> -> vector<64x128xf32>
    %add3A_35 = arith.addf %get3A_33, %dot_general3A_34 : vector<64x128xf32>
    %swap3A = arith.constant 0 : index
    %swap3A_36 = arith.constant 0 : index
    %swap3A_37 = vector.load %arg10[%swap3A, %swap3A_36] : memref<64x128xf32, #tpu.memory_space<vmem>>, vector<64x128xf32>
    tpu.vector_store %arg10[%swap3A, %swap3A_36], %add3A_35 {strides = array<i32>} : memref<64x128xf32, #tpu.memory_space<vmem>>, vector<64x128xf32>,
    %eq3A_38 = arith.constant 9 : i32
    %eq3A_39 = arith.cmpi eq, %arg0, %eq3A_38 : i32
    %convert_element_type3A_40 = arith.extui %eq3A_39 : i1 to i32
    %cond3A_41 = arith.constant 0 : i32
    %cond3A_42 = arith.cmpi ne, %convert_element_type3A_40, %cond3A_41 : i32
    scf.if %cond3A_42 {
      %get3A_43 = arith.constant 0 : index
      %get3A_44 = arith.constant 0 : index
      %get3A_45 = vector.load %arg10[%get3A_43, %get3A_44] : memref<64x128xf32, #tpu.memory_space<vmem>>, vector<64x128xf32>
      %get3A_46 = arith.constant 0 : index
      %get3A_47 = arith.constant 0 : index
      %get3A_48 = vector.load %arg7[%get3A_46, %get3A_47] : memref<128x128xf32, #tpu.memory_space<vmem>>, vector<128x128xf32>
      %dot_general3A_49 = arith.constant dense<0.000000e+00> : vector<64x128xf32>
      %dot_general3A_50 = tpu.matmul %get3A_45, %get3A_48, %dot_general3A_49 {dimension_numbers = #tpu.dot_dimension_numbers<[1], [0], [0], [1], [0, 0, 1, 1], [], []>, transpose_lhs_hint = false} : vector<64x128xf32>, vector<128x128xf32>, vector<64x128xf32> -> vector<64x128xf32>
      %get3A_51 = arith.constant 0 : index
      %get3A_52 = arith.constant 0 : index
      %get3A_53 = vector.load %arg8[%get3A_51, %get3A_52] : memref<1x128xf32, #tpu.memory_space<vmem>>, vector<1x128xf32>
      %add3A_54 = vector.broadcast %get3A_53 : vector<1x128xf32> to vector<64x128xf32>
      %add3A_55 = arith.addf %dot_general3A_50, %add3A_54 : vector<64x128xf32>
      %swap3A_56 = arith.constant 0 : index
      %swap3A_57 = arith.constant 0 : index
      %swap3A_58 = vector.load %arg9[%swap3A_56, %swap3A_57] : memref<64x128xf32, #tpu.memory_space<vmem>>, vector<64x128xf32>
      tpu.vector_store %arg9[%swap3A_56, %swap3A_57], %add3A_55 {strides = array<i32>} : memref<64x128xf32, #tpu.memory_space<vmem>>, vector<64x128xf32>,
    } else {
    }
    return
  }
  func.func @transform_0(%arg0: i32) -> (i32, i32) {
    %c0_i32 = arith.constant 0 : i32
    %c0_i32_0 = arith.constant 0 : i32
    return %arg0, %c0_i32 : i32, i32
  }
  func.func @transform_1(%arg0: i32) -> (i32, i32) {
    %c0_i32 = arith.constant 0 : i32
    %c0_i32_0 = arith.constant 0 : i32
    return %arg0, %c0_i32 : i32, i32
  }
  func.func @transform_2(%arg0: i32) -> (i32, i32) {
    %c0_i32 = arith.constant 0 : i32
    %c0_i32_0 = arith.constant 0 : i32
    return %arg0, %c0_i32 : i32, i32
  }
  func.func @transform_3(%arg0: i32) -> (i32, i32) {
    %c0_i32 = arith.constant 0 : i32
    %c0_i32_0 = arith.constant 0 : i32
    return %arg0, %c0_i32 : i32, i32
  }
  func.func @transform_4(%arg0: i32) -> (i32, i32) {
    %c0_i32 = arith.constant 0 : i32
    %c0_i32_0 = arith.constant 0 : i32
    %c0_i32_1 = arith.constant 0 : i32
    return %c0_i32, %c0_i32_0 : i32, i32
  }
  func.func @transform_5(%arg0: i32) -> (i32, i32, i32) {
    %c0_i32 = arith.constant 0 : i32
    %c0_i32_0 = arith.constant 0 : i32
    %c0_i32_1 = arith.constant 0 : i32
    return %arg0, %c0_i32, %c0_i32_0 : i32, i32, i32
  }
  func.func @transform_6(%arg0: i32) -> (i32, i32) {
    %c0_i32 = arith.constant 0 : i32
    %c0_i32_0 = arith.constant 0 : i32
    %c0_i32_1 = arith.constant 0 : i32
    return %c0_i32, %c0_i32_0 : i32, i32
  }
  func.func @transform_7(%arg0: i32) -> (i32, i32) {
    %c0_i32 = arith.constant 0 : i32
    %c0_i32_0 = arith.constant 0 : i32
    %c0_i32_1 = arith.constant 0 : i32
    return %c0_i32, %c0_i32_0 : i32, i32
  }
  func.func @transform_8(%arg0: i32) -> (i32, i32) {
    %c0_i32 = arith.constant 0 : i32
    %c0_i32_0 = arith.constant 0 : i32
    %c0_i32_1 = arith.constant 0 : i32
    return %c0_i32, %c0_i32_0 : i32, i32
  }
}

</mosaic_0001>

<sc_bundles>
// kernel: kernel.11.cloned.1.call-start
scs
__scs_entry_jumppad:
0x0: {  	(pc) =	sbr.rel $0x88, $3  }
0x1: {  	(tag) =	ssettag $0x0;
	lr =	simm.s32 $0x1  }
0x2: {  	[smem:$0x3F98] =	sst lr;
	_ =	strace $0xD0000000  }
0x3: {  	_ = 	snop  }
0x4: {  	_ = 	snop  }
0x5: {  	_ = 	snop  }
0x6: {  	_ = 	snop  }
0x7: {  	_ = 	snop  }
__scs_overlays_trampoline_lowered:
0x8: {  	[smem:$0x3FA7] =	sst s0  }
0x9: {  	[smem:$0x3FA8] =	sst s1  }
0xa: {  	[smem:$0x3FA9] =	sst s2  }
0xb: {  	[smem:$0x3FAA] =	sst s3  }
0xc: {  	[smem:$0x3FAB] =	sst s4  }
0xd: {  	[smem:$0x3FAC] =	sst s5  }
0xe: {  	[smem:$0x3FAD] =	sst s6  }
0xf: {  	[smem:$0x3FAE] =	sst s7  }
0x10: {  	[smem:$0x3FAF] =	sst s8  }
0x11: {  	[smem:$0x3FB0] =	sst s9;
	s0 =	simm.s32 @!p0 $0x0  }
0x12: {  	s1 =	sld [smem:$0x3F96];
	s0 =	simm.s32 @p0 $0x1  }
0x13: {  	[smem:$0x3FB1] =	sst s0;
	s0 =	simm.s32 @!p1 $0x0  }
0x14: {  	s2 =	sld [smem:$0x3F95];
	s0 =	simm.s32 @p1 $0x1  }
0x15: {  	[smem:$0x3FB2] =	sst s0;
	s0 =	simm.s32 @!p2 $0x0  }
0x16: {  	s3 =	sld [smem:$0x3FDB];
	s0 =	simm.s32 @p2 $0x1  }
0x17: {  	s4 =	simm.s32 $0x1BF5;
	[smem:$0x3FB4] =	sst s0  }
0x18: {  	s0 =	sld [smem:$0x3F97];
	_ =	swait.ge [sflag:s4], $0x0  }
0x19: {  	s7 =	sld [smem:$0x3F98]  }
0x1a: {  	s8 =	sadd.s32 $0xFFFFE003, lr  }
0x1b: {  	s9 =	sadd.s32 $0xFFFFFEF7, lr;
	s5 =	simm.s32 $0xFFFFFFFF;
	p2 =	slt.u32 s8, $0xFFFFF086  }
0x1c: {  	p1 =	slt.u32 s9, $0xF7A;
	s5 =	simm.s32 @!p2 $0x0  }
0x1d: {  	s5 =	simm.s32 @p1 $0x1;
	p0 =	seq.s32 s7, s2  }
0x1e: {  	s7 =	smul.u32 @!p0 $0xF7A, s2;
	p2 =	seq.s32 @!p0 s5, $0x0  }
0x1f: {  	s9 =	smul.u32 $0xF7A, s1;
	s8 =	simm.s32 @!p0 $0x1BF5;
	p2 =	por !p2, p0  }
0x20: {  	[sflag:s8] =	ssyncset.s32 @!p0 $0xFFFFF086;
	s6 =	sadd.s32 @!p0 s3, s7;
	s7 =	simm.s32 @!p0 $0x108  }
0x21: {  	s3 =	sadd.s32 s3, s9;
	s6 =	sadd.s32 @!p0 $0x88, s6;
	s7 =	simm.s32 @p2 $0x1082  }
0x22: {  	[simem:s7], [sflag:s8] =	dma.local @!p0 [hbm:s6], $0xF7A  }
0x23: {  	s9 =	sor.u32 $0xD0000000, s2;
	s6 =	simm.s32 $0x108;
	_ =	swait.ge @!p0 [sflag:s8], $0x0  }
0x24: {  	s3 =	sadd.s32 $0x88, s3;
	s6 =	simm.s32 @!p1 $0x1082;
	[sflag:s4] =	ssyncset.s32 $0xFFFFF086  }
0x25: {  	[simem:s6], [sflag:s4] =	dma.local [hbm:s3], $0xF7A  }
0x26: {  	[smem:$0x3F98] =	sst s1;
	(tag) =	ssettag s2;
	_ =	strace s9  }
0x27: {  	s1 =	sld [smem:$0x3FA8]  }
0x28: {  	s2 =	sld [smem:$0x3FA9]  }
0x29: {  	s4 =	sld [smem:$0x3FAB]  }
0x2a: {  	p0 =	seq.s32 s5, $0x0;
	s5 =	sld [smem:$0x3FAC]  }
0x2b: {  	s6 =	sld [smem:$0x3FAD]  }
0x2c: {  	s7 =	sld [smem:$0x3FAE]  }
0x2d: {  	s3 =	simm.s32 $0x108;
	s8 =	sld [smem:$0x3FAF]  }
0x2e: {  	s3 =	simm.s32 @!p0 $0x1082;
	s9 =	sld [smem:$0x3FB0]  }
0x2f: {  	lr =	sadd.s32 s0, s3;
	s0 =	sld [smem:$0x3FA7]  }
0x30: {  	s3 =	sld [smem:$0x3FAA]  }
0x31: {  	[smem:$0x3FB3] =	sst s10  }
0x32: {  	s10 =	sld [smem:$0x3FB1];
	_ =	sdelay $0x3  }
0x33: {  	p0 =	seq.s32 s10, $0x1;
	s10 =	sld [smem:$0x3FB3];
	_ =	sdelay $0x3  }
0x34: {  	[smem:$0x3FB3] =	sst s10  }
0x35: {  	s10 =	sld [smem:$0x3FB2];
	_ =	sdelay $0x3  }
0x36: {  	p1 =	seq.s32 s10, $0x1;
	s10 =	sld [smem:$0x3FB3];
	_ =	sdelay $0x3  }
0x37: {  	[smem:$0x3FB3] =	sst s10  }
0x38: {  	s10 =	sld [smem:$0x3FB4]  }
0x39: {  	_ = 	snop;
	(pc) =	sbr.ind lr, $3  }
0x3a: {  	_ = 	snop  }
0x3b: {  	_ = 	snop  }
0x3c: {  	p2 =	seq.s32 s10, $0x1;
	s10 =	sld [smem:$0x3FB3]  }
0x3d: {  	_ =	shalt  }
0x3e: {  	_ =	shalt  }
0x3f: {  	_ =	shalt  }
0x40: {  	_ =	shalt  }
0x41: {  	_ =	shalt  }
0x42: {  	_ =	shalt  }
0x43: {  	_ =	shalt  }
0x44: {  	_ =	shalt  }
0x45: {  	_ =	shalt  }
0x46: {  	_ =	shalt  }
0x47: {  	_ =	shalt  }
0x48: {  	_ =	shalt  }
0x49: {  	_ =	shalt  }
0x4a: {  	_ =	shalt  }
0x4b: {  	_ =	shalt  }
0x4c: {  	_ =	shalt  }
0x4d: {  	_ =	shalt  }
0x4e: {  	_ =	shalt  }
0x4f: {  	_ =	shalt  }
0x50: {  	_ =	shalt  }
0x51: {  	_ =	shalt  }
0x52: {  	_ =	shalt  }
0x53: {  	_ =	shalt  }
0x54: {  	_ =	shalt  }
0x55: {  	_ =	shalt  }
0x56: {  	_ =	shalt  }
0x57: {  	_ =	shalt  }
0x58: {  	_ =	shalt  }
0x59: {  	_ =	shalt  }
0x5a: {  	_ =	shalt  }
0x5b: {  	_ =	shalt  }
0x5c: {  	_ =	shalt  }
0x5d: {  	_ =	shalt  }
0x5e: {  	_ =	shalt  }
0x5f: {  	_ =	shalt  }
0x60: {  	_ =	shalt  }
0x61: {  	_ =	shalt  }
0x62: {  	_ =	shalt  }
0x63: {  	_ =	shalt  }
0x64: {  	_ =	shalt  }
0x65: {  	_ =	shalt  }
0x66: {  	_ =	shalt  }
0x67: {  	_ =	shalt  }
0x68: {  	_ =	shalt  }
0x69: {  	_ =	shalt  }
0x6a: {  	_ =	shalt  }
0x6b: {  	_ =	shalt  }
0x6c: {  	_ =	shalt  }
0x6d: {  	_ =	shalt  }
0x6e: {  	_ =	shalt  }
0x6f: {  	_ =	shalt  }
0x70: {  	_ =	shalt  }
0x71: {  	_ =	shalt  }
0x72: {  	_ =	shalt  }
0x73: {  	_ =	shalt  }
0x74: {  	_ =	shalt  }
0x75: {  	_ =	shalt  }
0x76: {  	_ =	shalt  }
0x77: {  	_ =	shalt  }
0x78: {  	_ =	shalt  }
0x79: {  	_ =	shalt  }
0x7a: {  	_ =	shalt  }
0x7b: {  	_ =	shalt  }
0x7c: {  	_ =	shalt  }
0x7d: {  	_ =	shalt  }
0x7e: {  	_ =	shalt  }
0x7f: {  	_ =	shalt  }
0x80: {  	_ =	shalt  }
0x81: {  	_ =	shalt  }
0x82: {  	_ =	shalt  }
0x83: {  	_ =	shalt  }
0x84: {  	_ =	shalt  }
0x85: {  	_ =	shalt  }
0x86: {  	_ =	shalt  }
0x87: {  	_ =	shalt  }
.Lfunc_end0:
.L_simem_size_0:
called_computation.1_lowered:
.L_overlay_start_0:
0x88: {  	s2 =	sld [smem:$0x3FD9]  }
0x89: {  	s3 =	sld [smem:$0x3FFE];
	_ =	sdelay $0x1  }
0x8a: {  	s1 =	srdreg.scid  }
0x8b: {  	s0 =	sand.u32 $0x1, s1  }
0x8c: {  	s16 =	sshll.u32 s0, $0xA;
	s2 =	sadd.s32 s3, s2  }
0x8d: {  	s2 =	sadd.s32 s2, s16  }
0x8e: {  	[smem:$0x3FBF] =	sst s2  }
0x8f: {  	_ = 	snop  }
0x90: {  	(tm) =	ssettm $0x1  }
0x91: {  	s17 =	sld [smem:$0x3FFB];
	_ =	sdelay $0x3  }
0x92: {  	_ =	strace s17  }
0x93: {  	s2 =	sld [smem:$0x3FFC];
	_ =	sdelay $0x3  }
0x94: {  	_ =	strace s2  }
0x95: {  	s2 =	sld [smem:$0x3FFD];
	_ =	sdelay $0x3  }
0x96: {  	_ =	strace s2  }
0x97: {  	_ =	strace $0x8FFFFFFF  }
0x98: {  	s18 =	sld [smem:$0x3FDB];
	_ =	sdelay $0x1  }
0x99: {  	s19 =	simm.s32 $_scs_section_size  }
0x9a: {  	s4 =	simm.s32 $_size__tile_overlayer_lowered;
	s5 =	simm.s32 $_tile_overlayer_lowered  }
0x9b: {  	s22 =	simm.s32 $0x1BFF;
	s21 =	sshll.u32 s5, $0x1;
	s2 =	sadd.s32 s19, s18  }
0x9c: {  	s6 =	simm.s32 $0x0;
	s20 =	sshll.u32 s4, $0x1;
	s4 =	sadd.s32 s21, s2  }
0x9d: {  	[timem:s6], [sflag:s22] =	dma.local [hbm:s4], s20  }
0x9e: {  	_ =	swait.ge [sflag:s22], s20  }
0x9f: {  	s3 =	ssub.s32 $0x0, s20;
	[sflag:s22] =	ssyncset.done $0x0  }
0xa0: {  	[sflag:s22] =	ssyncadd.s32 s3;
	_ =	sdelay $0x1  }
0xa1: {  	s23 =	simm.s32 $0x1B8B  }
0xa2: {  	_ =	swait.ge [sflag:s23], $0x1  }
0xa3: {  	[sflag:s23] =	ssyncset.done $0x0  }
0xa4: {  	s25 =	simm.s32 $0x1B8E;
	s24 =	sld [smem:$0x3FFE];
	[sflag:s23] =	ssyncadd.s32 $0xFFFFFFFF  }
0xa5: {  	s26 =	simm.s32 $execute0_lowered;
	[smem:$0x3FD2] =	sst s25  }
0xa6: {  	s4 =	sshll.u32 s26, $0x1;
	_ =	strace $0x80000049;
	[dreg:$0x1] =	wrdreg $0xFFFFFFFF  }
0xa7: {  	s28 =	simm.s32 $_size_execute0_lowered;
	s2 =	sadd.s32 s2, s4;
	[dreg:$0x0] =	wrdreg $0x0  }
0xa8: {  	s4 =	sshll.u32 s28, $0x1;
	[dreg:$0x2] =	wrdreg s2  }
0xa9: {  	[dreg:$0x3] =	wrdreg s4  }
0xaa: {  	[dreg:$0x4] =	wrdreg $0xC0  }
0xab: {  	_ =	task [dreg:s6], $0x5FFFF  }
0xac: {  	[dreg:$0x1] =	wrdreg $0xFFFFFFFF  }
0xad: {  	[dreg:$0x0] =	wrdreg $0x60  }
0xae: {  	[dreg:$0x2] =	wrdreg s24  }
0xaf: {  	[dreg:$0x3] =	wrdreg $0xC4000  }
0xb0: {  	[dreg:$0x4] =	wrdreg $0x9  }
0xb1: {  	_ =	task.clear_ibuf [dreg:s6], $0x5FFFF;
	_ =	strace $0x90000049  }
0xb2: {  	s29 =	simm.s32 $0x9;
	_ =	strace $0x8000004B  }
0xb3: {  	_ =	swait.ge [sflag:s29], $0x1  }
0xb4: {  	[sflag:s29] =	ssyncadd.s32 $0xFFFFFFFF  }
0xb5: {  	_ =	strace $0x9000004B  }
0xb6: {  	_ =	sfence  }
0xb7: {  	s30 =	sld [smem:$0x0];
	_ =	sdelay $0x2  }
0xb8: {  	s31 =	sshll.u32 s1, $0xD;
	s1 =	sshrl.u32 s1, $0x2  }
0xb9: {  	s3 =	sand.u32 $0x4000, s31;
	s1 =	sadd.s32 s1, s30  }
0xba: {  	s0 =	sor.u32 s3, s0;
	s1 =	sshll.u32 s1, $0x11  }
0xbb: {  	s0 =	sor.u32 s1, s0  }
0xbc: {  	s0 =	sadd.s32 $0x8F2B, s0  }
0xbd: {  	[sflag:s0] =	ssyncadd.remote.s32 $0x1  }
0xbe: {  	_ =	sfence.sel $0xFFFF  }
0xbf: {  	[dreg:$0x0] =	wrdreg $0xFFFFFFFF;
	(pc) =	sbr.abs _section_cstart, $3  }
0xc0: {  	[dreg:$0x1] =	wrdreg $0xFFFFFFFF  }
0xc1: {  	_ =	task.clear_ibuf [dreg:s6], $0x2FFFF;
	_ =	strace $0x9FFFFFFF  }
0xc2: {  	(tm) =	ssettm $0x7FFFFFFF  }
0xc3: {  	_ =	shalt  }
tec
execute0_lowered:
.L_overlay_start_1:
0x0: {  	(tag) =	ssettag $0x1  }
0x1: {  	s1 =	rddreg [dreg:$0x0]  }
0x2: {  	s2 =	rddreg [dreg:$0x1];
	s0 =	stileid.u32  }
0x3: {  	s4 =	srdreg.scid;
	s3 =	simm.s32 $0x0;
	s15 =	simm.s32 $0x3  }
0x4: {  	s16 =	simm.s32 $0x80;
	s18 =	simm.s32 $0x100;
	s21 =	simm.s32 $0x4400  }
0x5: {  	s22 =	simm.s32 $0x1;
	s23 =	simm.s32 $0x0;
	s5 =	smul.u32 $0x4F, s0  }
0x6: {  	s6 =	sand.u32 $0x1, s4;
	[smem:$0x7FF] =	sst s3;
	s26 =	smul.u32 $0x13C00, s0  }
0x7: {  	s29 =	smul.u32 $0x4F000, s0;
	s31 =	sshll.u32 s0, $0x6;
	p0 =	seq.s32 s6, $0x0  }
0x8: {  	_ =	strace $0x8000004A;
	s8 =	smul.u32 $0x13C000, s6;
	s6 =	ssub.s32 $0x2, s6  }
0x9: {  	s4 =	sadd.s32 $0x4F0, s5;
	s28 =	sshrl.u32 s26, $0x3;
	s9 =	sshrl.u32 s6, $0x1  }
0xa: {  	s30 =	sshrl.u32 s29, $0x2;
	s4 =	smov.u32 @p0 s5;
	s5 =	sadd.s32 s26, s8  }
0xb: {  	s12 =	ssub.s32 s6, s9;
	s14 =	sadd.s32 s30, s2;
	s6 =	sor.u32 $0x1C03, s31  }
0xc: {  	s7 =	sshll.u32 s4, $0x5;
	s4 =	sadd.s32 $0x17000, s1;
	s5 =	sshrl.u32 s5, $0x3  }
0xd: {  	s12 =	smax.u32 s12, $0x1;
	s13 =	sadd.s32 s7, s1;
	s7 =	sadd.s32 s28, s1  }
0xe: {  	s14 =	sshrl.u32 s14, $0x3;
	s1 =	sadd.s32 s5, s1;
	s5 =	sadd.s32 $0x3E200, s7  }
0xf: {  	s7 =	sadd.s32 $0x3400, s13;
	s8 =	sadd.s32 $0x3420, s13;
	s9 =	sadd.s32 $0x3440, s13  }
0x10: {  	s10 =	sadd.s32 $0x3460, s13;
	s11 =	sadd.s32 $0x65A00, s1;
	s13 =	sadd.s32 $0x3480, s13  }
.LBB2_1:
0x11: {  	[spmem:s14], [sflag:s6] =	dma.local [hbm:s5], $0x2780  }
0x12: {  	_ =	swait.ge [sflag:s15], $0x2780  }
0x13: {  	[sflag:s15] =	ssyncset.done $0x0  }
0x14: {  	[sflag:s15] =	ssyncadd.s32 $0xFFFFD880  }
0x15: {  	[tilespmem:s3], [sflag:$0x3] =	stream.linear.gather [hbm4b:s7+s3], $0x100, $0x38;
	v63 =	vld [tilespmem:$0x0]  }
0x16: {  	_ =	swait.ge [sflag:s15], $0x100  }
0x17: {  	[sflag:s15] =	ssyncset.done $0x0  }
0x18: {  	s0 =	simm.s32 $0x400;
	[sflag:s15] =	ssyncadd.s32 $0xFFFFFF00  }
0x19: {  	[tilespmem:s0], [sflag:$0x1] =	stream.indirect.gather [hbm4b:s4+s16], $0x80, s3, s16, $0xb8;
	v63 =	vld [tilespmem:$0x0]  }
0x1a: {  	_ = 	snop  }
0x1b: {  	[tilespmem:s18], [sflag:$0x2] =	stream.linear.gather [hbm4b:s8+s3], $0x100, $0x38;
	v63 =	vld [tilespmem:$0x0]  }
0x1c: {  	s1 =	simm.s32 $0x200  }
0x1d: {  	[tilespmem:s1], [sflag:$0x2] =	stream.linear.gather [hbm4b:s9+s3], $0x100, $0x38;
	v63 =	vld [tilespmem:$0x0]  }
0x1e: {  	s17 =	simm.s32 $0x300;
	s1 =	simm.s32 $0x2  }
0x1f: {  	[tilespmem:s17], [sflag:$0x2] =	stream.linear.gather [hbm4b:s10+s3], $0x100, $0x38;
	v63 =	vld [tilespmem:$0x0]  }
0x20: {  	p0 =	por $0x0, $0x0;
	s25 =	simm.s32 $0x800;
	_ =	swait.ge [sflag:s1], $0x100  }
0x21: {  	s26 =	simm.s32 $0x0;
	s24 =	simm.s32 $0x3;
	[sflag:s1] =	ssyncset.done $0x0  }
0x22: {  	s30 =	simm.s32 $0x4;
	[sflag:s1] =	ssyncadd.s32 $0xFFFFFF00;
	s1 =	smul.u32 @!p0 $0xAB, s1  }
0x23: {  	[tilespmem:s21], [sflag:$0x1] =	stream.indirect.gather [hbm4b:s4+s16], $0x80, s18, s16, $0xb8;
	v63 =	vld [tilespmem:$0x0]  }
0x24: {  	s26 =	smul.u32 $0xAB, s26;
	s25 =	sand.u32 @!p0 $0xC00, s25;
	s1 =	sshrl.u32 @!p0 s1, $0x9  }
0x25: {  	s28 =	simm.s32 @!p0 $0x2;
	[bflag:$0x0] =	sbarrier.arrive $0xFFFF;
	s1 =	sand.u32 @!p0 $0x7F, s1  }
0x26: {  	s26 =	sshrl.u32 s26, $0x9;
	_ =	swait.ge [sflag:s22], $0x4000;
	s1 =	smul.u32 @!p0 $0x3, s1  }
0x27: {  	s29 =	simm.s32 @!p0 $0x80;
	s26 =	sand.u32 $0x7F, s26;
	[sflag:s22] =	ssyncset.done $0x0  }
0x28: {  	s26 =	smul.u32 $0x3, s26;
	[sflag:s22] =	ssyncadd.s32 $0xFFFFC000;
	s1 =	ssub.s32 @!p0 $0x2, s1  }
0x29: {  	s25 =	sshrl.u32 @!p0 s25, $0x2;
	_ =	swait.ge @!p0 [sflag:s28], $0x100;
	s1 =	sand.u32 @!p0 $0xFF, s1  }
0x2a: {  	s26 =	ssub.s32 $0x0, s26;
	[sflag:s28] =	ssyncset.done @!p0 $0x0;
	s1 =	sshll.u32 @!p0 s1, $0xE  }
0x2b: {  	s26 =	sand.u32 $0xFF, s26;
	[sflag:s28] =	ssyncadd.s32 @!p0 $0xFFFFFF00;
	s1 =	sor.u32 @!p0 $0x400, s1  }
0x2c: {  	[tilespmem:s1], [sflag:$0x1] =	stream.indirect.gather @!p0 [hbm4b:s4+s29], $0x80, s25, s29, $0xb8;
	v63 =	vld [tilespmem:$0x0]  }
0x2d: {  	s31 =	smov.u32 s13;
	s19 =	sshll.u32 s26, $0xE;
	s1 =	sand.u32 $0x300, s3  }
0x2e: {  	s26 =	simm.s32 $0x100;
	s25 =	sor.u32 $0x400, s19;
	s20 =	sor.u32 $0x80, s1  }
0x2f: {  	[spmem:s2] =	stream.indirect.scatter.add.f32 [tilespmem:s25], [sflag:$0x3], $0x80, s20, s16, $0xb8;
	v63 =	vld [tilespmem:$0x0]  }
0x30: {  	s28 =	simm.s32 $0x1;
	p0 =	por $0x0, $0x0;
	_ =	swait.ge [sflag:s15], $0x4000  }
0x31: {  	s29 =	simm.s32 $0xC00;
	s25 =	sadd.s32 $0x20, s13;
	[sflag:s15] =	ssyncset.done $0x0  }
.LBB2_2:
0x32: {  	p1 =	sgt.u32 s28, $0x4C;
	s0 =	simm.s32 @!p0 $0x0;
	s17 =	smov.u32 s24  }
0x33: {  	s24 =	smov.u32 s30;
	p2 =	por p0, p0;
	p0 =	sgt.u32 s28, $0x4A  }
0x34: {  	s19 =	smul.u32 @!p1 $0xAB, s17;
	s20 =	sand.u32 @!p1 $0xC00, s29;
	[sflag:s15] =	ssyncadd.s32 $0xFFFFC000  }
0x35: {  	[tilespmem:s1], [sflag:$0x2] =	stream.linear.gather @!p2 [hbm4b:s31+s0], $0x100, $0x38;
	v63 =	vld [tilespmem:$0x0]  }
0x36: {  	s0 =	smul.u32 $0xAB, s28;
	_ =	swait.ge [sflag:s22], $0x4000;
	s1 =	sshrl.u32 @!p1 s19, $0x9  }
0x37: {  	s19 =	sshrl.u32 @!p1 s20, $0x2;
	[sflag:s22] =	ssyncset.done $0x0;
	s1 =	sand.u32 @!p1 $0x7F, s1  }
0x38: {  	s0 =	sshrl.u32 s0, $0x9;
	[sflag:s22] =	ssyncadd.s32 $0xFFFFC000;
	s1 =	smul.u32 @!p1 $0x3, s1  }
0x39: {  	s30 =	sadd.s32 $0x1, s30;
	s31 =	smov.u32 s25;
	s0 =	sand.u32 $0x7F, s0  }
0x3a: {  	s20 =	simm.s32 @!p1 $0x2;
	s0 =	smul.u32 $0x3, s0;
	s1 =	ssub.s32 @!p1 s17, s1  }
0x3b: {  	s17 =	simm.s32 @!p1 $0x80;
	_ =	swait.ge @!p1 [sflag:s20], $0x100;
	s1 =	sand.u32 @!p1 $0xFF, s1  }
0x3c: {  	s0 =	ssub.s32 s28, s0;
	[sflag:s20] =	ssyncset.done @!p1 $0x0;
	s1 =	sshll.u32 @!p1 s1, $0xE  }
0x3d: {  	s0 =	sand.u32 $0xFF, s0;
	[sflag:s20] =	ssyncadd.s32 @!p1 $0xFFFFFF00;
	s1 =	sor.u32 @!p1 $0x400, s1  }
0x3e: {  	[tilespmem:s1], [sflag:$0x1] =	stream.indirect.gather @!p1 [hbm4b:s4+s17], $0x80, s19, s17, $0xb8;
	v63 =	vld [tilespmem:$0x0]  }
0x3f: {  	p1 =	sne.s32 s30, $0x51  }
.Ltmp0:
0x40: {  	s0 =	sshll.u32 s0, $0xE;
	s1 =	sand.u32 $0x300, s26;
	(pc) =	sbr.rel @p1 .LBB2_2-.Ltmp0, $4  }
0x41: {  	s0 =	sor.u32 $0x400, s0;
	s17 =	sor.u32 $0x80, s1  }
0x42: {  	[spmem:s2] =	stream.indirect.scatter.add.f32 [tilespmem:s0], [sflag:$0x3], $0x80, s17, s16, $0xb8;
	v63 =	vld [tilespmem:$0x0]  }
0x43: {  	s29 =	sadd.s32 $0x400, s29;
	s26 =	sadd.s32 $0x100, s26;
	_ =	swait.ge [sflag:s15], $0x4000  }
0x44: {  	s25 =	sadd.s32 $0x20, s25;
	s28 =	sadd.s32 $0xFFFFFFFE, s24;
	[sflag:s15] =	ssyncset.done $0x0  }
0x45: {  	p1 =	sgt.u32 s28, $0x4C;
	s0 =	simm.s32 @!p0 $0x0  }
0x46: {  	p0 =	por p0, p0;
	[sflag:s15] =	ssyncadd.s32 $0xFFFFC000;
	s17 =	smul.u32 @!p1 $0xAB, s24  }
0x47: {  	[tilespmem:s1], [sflag:$0x2] =	stream.linear.gather @!p0 [hbm4b:s31+s0], $0x100, $0x38;
	v63 =	vld [tilespmem:$0x0]  }
0x48: {  	s30 =	smul.u32 $0xAB, s28;
	s1 =	sshrl.u32 @!p1 s17, $0x9  }
0x49: {  	s19 =	simm.s32 @!p1 $0x2;
	s20 =	simm.s32 @!p1 $0x80;
	s1 =	sand.u32 @!p1 $0x7F, s1  }
0x4a: {  	_ =	swait.ge [sflag:s22], $0x4000;
	s0 =	sshrl.u32 s30, $0x9;
	s1 =	smul.u32 @!p1 $0x3, s1  }
0x4b: {  	s17 =	sand.u32 @!p1 $0xC00, s29;
	[sflag:s22] =	ssyncset.done $0x0;
	s0 =	sand.u32 $0x7F, s0  }
0x4c: {  	[sflag:s22] =	ssyncadd.s32 $0xFFFFC000;
	s0 =	smul.u32 $0x3, s0;
	s1 =	ssub.s32 @!p1 s24, s1  }
0x4d: {  	s17 =	sshrl.u32 @!p1 s17, $0x2;
	_ =	swait.ge @!p1 [sflag:s19], $0x100;
	s1 =	sand.u32 @!p1 $0xFF, s1  }
0x4e: {  	s0 =	ssub.s32 s28, s0;
	[sflag:s19] =	ssyncset.done @!p1 $0x0;
	s1 =	sshll.u32 @!p1 s1, $0xE  }
0x4f: {  	s0 =	sand.u32 $0xFF, s0;
	[sflag:s19] =	ssyncadd.s32 @!p1 $0xFFFFFF00;
	s1 =	sor.u32 @!p1 $0x400, s1  }
0x50: {  	[tilespmem:s1], [sflag:$0x1] =	stream.indirect.gather @!p1 [hbm4b:s4+s20], $0x80, s17, s20, $0xb8;
	v63 =	vld [tilespmem:$0x0]  }
0x51: {  	s0 =	sshll.u32 s0, $0xE;
	s1 =	sand.u32 $0x300, s26  }
0x52: {  	s0 =	sor.u32 $0x400, s0;
	s31 =	sor.u32 $0x80, s1  }
0x53: {  	[spmem:s2] =	stream.indirect.scatter.add.f32 [tilespmem:s0], [sflag:$0x3], $0x80, s31, s16, $0xb8;
	v63 =	vld [tilespmem:$0x0]  }
0x54: {  	_ =	swait.ge [sflag:s15], $0x4000  }
0x55: {  	s23 =	sadd.s32 $0x1, s23;
	p0 =	sgt.u32 s28, $0x4A;
	[sflag:s15] =	ssyncset.done $0x0  }
0x56: {  	s0 =	simm.s32 @!p0 $0x0;
	p0 =	por p0, p0;
	[sflag:s15] =	ssyncadd.s32 $0xFFFFC000  }
0x57: {  	[tilespmem:s1], [sflag:$0x2] =	stream.linear.gather @!p0 [hbm4b:s25+s0], $0x100, $0x38;
	v63 =	vld [tilespmem:$0x0]  }
0x58: {  	p0 =	sne.s32 s23, s12  }
.Ltmp1:
0x59: {  	[bflag:$0x0] =	sbarrier.arrive $0xFFFF;
	(pc) =	sbr.rel @p0 .LBB2_1-.Ltmp1, $4  }
0x5a: {  	[hbm:s11], [sflag:s6] =	dma.local [spmem:s14], $0x2780  }
0x5b: {  	_ =	swait.ge [sflag:s15], $0x2780  }
0x5c: {  	[sflag:s15] =	ssyncset.done $0x0  }
0x5d: {  	[sflag:s15] =	ssyncadd.s32 $0xFFFFD880  }
0x5e: {  	_ =	sfence.sel $0x180000  }
0x5f: {  	[bflag:$0x0] =	sbarrier.arrive $0xFFFF  }
0x60: {  	_ =	strace $0x9000004A  }
0x61: {  	s0 =	stileid.u32;
	[bflag:$0x2] =	sbarrier.arrive $0xFFFF  }
0x62: {  	p0 =	sne.s32 s0, $0x0;
	s0 =	rddreg [dreg:$0x2]  }
0x63: {  	s0 =	sadd.s32 @!p0 $0x100000, s0  }
0x64: {  	[sflag:s0] =	ssyncadd.tile.s32 @!p0 $0x1;
	_ =	shalt  }
.Lfunc_end2:
_tile_overlayer_lowered:
.L_overlay_start_2:
0x65: {  	(tag) =	ssettag $0x2  }
0x66: {  	s0 =	rddreg [dreg:$0x0];
	s2 =	stileid.u32  }
0x67: {  	s1 =	rddreg [dreg:$0x1];
	p0 =	sne.s32 s2, $0x0  }
0x68: {  	s3 =	rddreg [dreg:$0x2];
	[bflag:$0x3] =	sbarrier.arrive $0xFFFF;
	s2 =	simm.s32 @!p0 $0x1C03  }
0x69: {  	[timem:s3], [sflag:s2] =	dma.local @!p0 [hbm:s0], s1  }
0x6a: {  	s0 =	simm.s32 @!p0 $0x3  }
0x6b: {  	_ =	swait.ge @!p0 [sflag:s0], s1  }
0x6c: {  	s1 =	ssub.s32 @!p0 $0x0, s1;
	[sflag:s0] =	ssyncset.done @!p0 $0x0  }
0x6d: {  	[sflag:s0] =	ssyncadd.s32 @!p0 s1  }
0x6e: {  	[bflag:$0x3] =	sbarrier.arrive $0xFFFF  }
0x6f: {  	_ =	shalt  }

// kernel: kernel.14.cloned.1.call-start
scs
__scs_entry_jumppad:
0x0: {  	(pc) =	sbr.rel $0x88, $3  }
0x1: {  	(tag) =	ssettag $0x0;
	lr =	simm.s32 $0x1  }
0x2: {  	[smem:$0x3F98] =	sst lr;
	_ =	strace $0xD0000000  }
0x3: {  	_ = 	snop  }
0x4: {  	_ = 	snop  }
0x5: {  	_ = 	snop  }
0x6: {  	_ = 	snop  }
0x7: {  	_ = 	snop  }
__scs_overlays_trampoline_lowered:
0x8: {  	[smem:$0x3FA7] =	sst s0  }
0x9: {  	[smem:$0x3FA8] =	sst s1  }
0xa: {  	[smem:$0x3FA9] =	sst s2  }
0xb: {  	[smem:$0x3FAA] =	sst s3  }
0xc: {  	[smem:$0x3FAB] =	sst s4  }
0xd: {  	[smem:$0x3FAC] =	sst s5  }
0xe: {  	[smem:$0x3FAD] =	sst s6  }
0xf: {  	[smem:$0x3FAE] =	sst s7  }
0x10: {  	[smem:$0x3FAF] =	sst s8  }
0x11: {  	[smem:$0x3FB0] =	sst s9;
	s0 =	simm.s32 @!p0 $0x0  }
0x12: {  	s1 =	sld [smem:$0x3F96];
	s0 =	simm.s32 @p0 $0x1  }
0x13: {  	[smem:$0x3FB1] =	sst s0;
	s0 =	simm.s32 @!p1 $0x0  }
0x14: {  	s2 =	sld [smem:$0x3F95];
	s0 =	simm.s32 @p1 $0x1  }
0x15: {  	[smem:$0x3FB2] =	sst s0;
	s0 =	simm.s32 @!p2 $0x0  }
0x16: {  	s3 =	sld [smem:$0x3FDB];
	s0 =	simm.s32 @p2 $0x1  }
0x17: {  	s4 =	simm.s32 $0x1BF5;
	[smem:$0x3FB4] =	sst s0  }
0x18: {  	s0 =	sld [smem:$0x3F97];
	_ =	swait.ge [sflag:s4], $0x0  }
0x19: {  	s7 =	sld [smem:$0x3F98]  }
0x1a: {  	s8 =	sadd.s32 $0xFFFFE003, lr  }
0x1b: {  	s9 =	sadd.s32 $0xFFFFFEF7, lr;
	s5 =	simm.s32 $0xFFFFFFFF;
	p2 =	slt.u32 s8, $0xFFFFF086  }
0x1c: {  	p1 =	slt.u32 s9, $0xF7A;
	s5 =	simm.s32 @!p2 $0x0  }
0x1d: {  	s5 =	simm.s32 @p1 $0x1;
	p0 =	seq.s32 s7, s2  }
0x1e: {  	s7 =	smul.u32 @!p0 $0xF7A, s2;
	p2 =	seq.s32 @!p0 s5, $0x0  }
0x1f: {  	s9 =	smul.u32 $0xF7A, s1;
	s8 =	simm.s32 @!p0 $0x1BF5;
	p2 =	por !p2, p0  }
0x20: {  	[sflag:s8] =	ssyncset.s32 @!p0 $0xFFFFF086;
	s6 =	sadd.s32 @!p0 s3, s7;
	s7 =	simm.s32 @!p0 $0x108  }
0x21: {  	s3 =	sadd.s32 s3, s9;
	s6 =	sadd.s32 @!p0 $0x88, s6;
	s7 =	simm.s32 @p2 $0x1082  }
0x22: {  	[simem:s7], [sflag:s8] =	dma.local @!p0 [hbm:s6], $0xF7A  }
0x23: {  	s9 =	sor.u32 $0xD0000000, s2;
	s6 =	simm.s32 $0x108;
	_ =	swait.ge @!p0 [sflag:s8], $0x0  }
0x24: {  	s3 =	sadd.s32 $0x88, s3;
	s6 =	simm.s32 @!p1 $0x1082;
	[sflag:s4] =	ssyncset.s32 $0xFFFFF086  }
0x25: {  	[simem:s6], [sflag:s4] =	dma.local [hbm:s3], $0xF7A  }
0x26: {  	[smem:$0x3F98] =	sst s1;
	(tag) =	ssettag s2;
	_ =	strace s9  }
0x27: {  	s1 =	sld [smem:$0x3FA8]  }
0x28: {  	s2 =	sld [smem:$0x3FA9]  }
0x29: {  	s4 =	sld [smem:$0x3FAB]  }
0x2a: {  	p0 =	seq.s32 s5, $0x0;
	s5 =	sld [smem:$0x3FAC]  }
0x2b: {  	s6 =	sld [smem:$0x3FAD]  }
0x2c: {  	s7 =	sld [smem:$0x3FAE]  }
0x2d: {  	s3 =	simm.s32 $0x108;
	s8 =	sld [smem:$0x3FAF]  }
0x2e: {  	s3 =	simm.s32 @!p0 $0x1082;
	s9 =	sld [smem:$0x3FB0]  }
0x2f: {  	lr =	sadd.s32 s0, s3;
	s0 =	sld [smem:$0x3FA7]  }
0x30: {  	s3 =	sld [smem:$0x3FAA]  }
0x31: {  	[smem:$0x3FB3] =	sst s10  }
0x32: {  	s10 =	sld [smem:$0x3FB1];
	_ =	sdelay $0x3  }
0x33: {  	p0 =	seq.s32 s10, $0x1;
	s10 =	sld [smem:$0x3FB3];
	_ =	sdelay $0x3  }
0x34: {  	[smem:$0x3FB3] =	sst s10  }
0x35: {  	s10 =	sld [smem:$0x3FB2];
	_ =	sdelay $0x3  }
0x36: {  	p1 =	seq.s32 s10, $0x1;
	s10 =	sld [smem:$0x3FB3];
	_ =	sdelay $0x3  }
0x37: {  	[smem:$0x3FB3] =	sst s10  }
0x38: {  	s10 =	sld [smem:$0x3FB4]  }
0x39: {  	_ = 	snop;
	(pc) =	sbr.ind lr, $3  }
0x3a: {  	_ = 	snop  }
0x3b: {  	_ = 	snop  }
0x3c: {  	p2 =	seq.s32 s10, $0x1;
	s10 =	sld [smem:$0x3FB3]  }
0x3d: {  	_ =	shalt  }
0x3e: {  	_ =	shalt  }
0x3f: {  	_ =	shalt  }
0x40: {  	_ =	shalt  }
0x41: {  	_ =	shalt  }
0x42: {  	_ =	shalt  }
0x43: {  	_ =	shalt  }
0x44: {  	_ =	shalt  }
0x45: {  	_ =	shalt  }
0x46: {  	_ =	shalt  }
0x47: {  	_ =	shalt  }
0x48: {  	_ =	shalt  }
0x49: {  	_ =	shalt  }
0x4a: {  	_ =	shalt  }
0x4b: {  	_ =	shalt  }
0x4c: {  	_ =	shalt  }
0x4d: {  	_ =	shalt  }
0x4e: {  	_ =	shalt  }
0x4f: {  	_ =	shalt  }
0x50: {  	_ =	shalt  }
0x51: {  	_ =	shalt  }
0x52: {  	_ =	shalt  }
0x53: {  	_ =	shalt  }
0x54: {  	_ =	shalt  }
0x55: {  	_ =	shalt  }
0x56: {  	_ =	shalt  }
0x57: {  	_ =	shalt  }
0x58: {  	_ =	shalt  }
0x59: {  	_ =	shalt  }
0x5a: {  	_ =	shalt  }
0x5b: {  	_ =	shalt  }
0x5c: {  	_ =	shalt  }
0x5d: {  	_ =	shalt  }
0x5e: {  	_ =	shalt  }
0x5f: {  	_ =	shalt  }
0x60: {  	_ =	shalt  }
0x61: {  	_ =	shalt  }
0x62: {  	_ =	shalt  }
0x63: {  	_ =	shalt  }
0x64: {  	_ =	shalt  }
0x65: {  	_ =	shalt  }
0x66: {  	_ =	shalt  }
0x67: {  	_ =	shalt  }
0x68: {  	_ =	shalt  }
0x69: {  	_ =	shalt  }
0x6a: {  	_ =	shalt  }
0x6b: {  	_ =	shalt  }
0x6c: {  	_ =	shalt  }
0x6d: {  	_ =	shalt  }
0x6e: {  	_ =	shalt  }
0x6f: {  	_ =	shalt  }
0x70: {  	_ =	shalt  }
0x71: {  	_ =	shalt  }
0x72: {  	_ =	shalt  }
0x73: {  	_ =	shalt  }
0x74: {  	_ =	shalt  }
0x75: {  	_ =	shalt  }
0x76: {  	_ =	shalt  }
0x77: {  	_ =	shalt  }
0x78: {  	_ =	shalt  }
0x79: {  	_ =	shalt  }
0x7a: {  	_ =	shalt  }
0x7b: {  	_ =	shalt  }
0x7c: {  	_ =	shalt  }
0x7d: {  	_ =	shalt  }
0x7e: {  	_ =	shalt  }
0x7f: {  	_ =	shalt  }
0x80: {  	_ =	shalt  }
0x81: {  	_ =	shalt  }
0x82: {  	_ =	shalt  }
0x83: {  	_ =	shalt  }
0x84: {  	_ =	shalt  }
0x85: {  	_ =	shalt  }
0x86: {  	_ =	shalt  }
0x87: {  	_ =	shalt  }
.Lfunc_end0:
.L_simem_size_0:
called_computation.2_lowered:
.L_overlay_start_0:
0x88: {  	s2 =	sld [smem:$0x3FD9]  }
0x89: {  	s3 =	sld [smem:$0x3FFE];
	_ =	sdelay $0x1  }
0x8a: {  	s1 =	srdreg.scid  }
0x8b: {  	s0 =	sand.u32 $0x1, s1  }
0x8c: {  	s16 =	sshll.u32 s0, $0xA;
	s2 =	sadd.s32 s3, s2  }
0x8d: {  	s2 =	sadd.s32 s2, s16  }
0x8e: {  	[smem:$0x3FBF] =	sst s2  }
0x8f: {  	_ = 	snop  }
0x90: {  	(tm) =	ssettm $0x1  }
0x91: {  	s17 =	sld [smem:$0x3FFB];
	_ =	sdelay $0x3  }
0x92: {  	_ =	strace s17  }
0x93: {  	s2 =	sld [smem:$0x3FFC];
	_ =	sdelay $0x3  }
0x94: {  	_ =	strace s2  }
0x95: {  	s2 =	sld [smem:$0x3FFD];
	_ =	sdelay $0x3  }
0x96: {  	_ =	strace s2  }
0x97: {  	_ =	strace $0x8FFFFFFF  }
0x98: {  	s18 =	sld [smem:$0x3FDB];
	_ =	sdelay $0x1  }
0x99: {  	s19 =	simm.s32 $_scs_section_size  }
0x9a: {  	s4 =	simm.s32 $_size__tile_overlayer_lowered;
	s5 =	simm.s32 $_tile_overlayer_lowered  }
0x9b: {  	s22 =	simm.s32 $0x1BFF;
	s21 =	sshll.u32 s5, $0x1;
	s2 =	sadd.s32 s19, s18  }
0x9c: {  	s6 =	simm.s32 $0x0;
	s20 =	sshll.u32 s4, $0x1;
	s4 =	sadd.s32 s21, s2  }
0x9d: {  	[timem:s6], [sflag:s22] =	dma.local [hbm:s4], s20  }
0x9e: {  	_ =	swait.ge [sflag:s22], s20  }
0x9f: {  	s3 =	ssub.s32 $0x0, s20;
	[sflag:s22] =	ssyncset.done $0x0  }
0xa0: {  	[sflag:s22] =	ssyncadd.s32 s3;
	_ =	sdelay $0x1  }
0xa1: {  	s23 =	simm.s32 $0x1B8B  }
0xa2: {  	_ =	swait.ge [sflag:s23], $0x1  }
0xa3: {  	[sflag:s23] =	ssyncset.done $0x0  }
0xa4: {  	s25 =	simm.s32 $0x1B8E;
	s24 =	sld [smem:$0x3FFE];
	[sflag:s23] =	ssyncadd.s32 $0xFFFFFFFF  }
0xa5: {  	s26 =	simm.s32 $execute0_lowered;
	[smem:$0x3FD2] =	sst s25  }
0xa6: {  	s4 =	sshll.u32 s26, $0x1;
	_ =	strace $0x8000004C;
	[dreg:$0x1] =	wrdreg $0xFFFFFFFF  }
0xa7: {  	s28 =	simm.s32 $_size_execute0_lowered;
	s2 =	sadd.s32 s2, s4;
	[dreg:$0x0] =	wrdreg $0x0  }
0xa8: {  	s4 =	sshll.u32 s28, $0x1;
	[dreg:$0x2] =	wrdreg s2  }
0xa9: {  	[dreg:$0x3] =	wrdreg s4  }
0xaa: {  	[dreg:$0x4] =	wrdreg $0xC0  }
0xab: {  	_ =	task [dreg:s6], $0x5FFFF  }
0xac: {  	[dreg:$0x1] =	wrdreg $0xFFFFFFFF  }
0xad: {  	[dreg:$0x0] =	wrdreg $0x60  }
0xae: {  	[dreg:$0x2] =	wrdreg s24  }
0xaf: {  	[dreg:$0x3] =	wrdreg $0xC4000  }
0xb0: {  	[dreg:$0x4] =	wrdreg $0x9  }
0xb1: {  	_ =	task.clear_ibuf [dreg:s6], $0x5FFFF;
	_ =	strace $0x9000004C  }
0xb2: {  	s29 =	simm.s32 $0x9;
	_ =	strace $0x8000004E  }
0xb3: {  	_ =	swait.ge [sflag:s29], $0x1  }
0xb4: {  	[sflag:s29] =	ssyncadd.s32 $0xFFFFFFFF  }
0xb5: {  	_ =	strace $0x9000004E  }
0xb6: {  	_ =	sfence  }
0xb7: {  	s30 =	sld [smem:$0x0];
	_ =	sdelay $0x2  }
0xb8: {  	s31 =	sshll.u32 s1, $0xD;
	s1 =	sshrl.u32 s1, $0x2  }
0xb9: {  	s3 =	sand.u32 $0x4000, s31;
	s1 =	sadd.s32 s1, s30  }
0xba: {  	s0 =	sor.u32 s3, s0;
	s1 =	sshll.u32 s1, $0x11  }
0xbb: {  	s0 =	sor.u32 s1, s0  }
0xbc: {  	s0 =	sadd.s32 $0x8F2B, s0  }
0xbd: {  	[sflag:s0] =	ssyncadd.remote.s32 $0x1  }
0xbe: {  	_ =	sfence.sel $0xFFFF  }
0xbf: {  	[dreg:$0x0] =	wrdreg $0xFFFFFFFF;
	(pc) =	sbr.abs _section_cstart, $3  }
0xc0: {  	[dreg:$0x1] =	wrdreg $0xFFFFFFFF  }
0xc1: {  	_ =	task.clear_ibuf [dreg:s6], $0x2FFFF;
	_ =	strace $0x9FFFFFFF  }
0xc2: {  	(tm) =	ssettm $0x7FFFFFFF  }
0xc3: {  	_ =	shalt  }
tec
execute0_lowered:
.L_overlay_start_1:
0x0: {  	(tag) =	ssettag $0x1  }
0x1: {  	s1 =	rddreg [dreg:$0x0]  }
0x2: {  	s2 =	rddreg [dreg:$0x1];
	s0 =	stileid.u32  }
0x3: {  	s4 =	srdreg.scid;
	s3 =	simm.s32 $0x0;
	s15 =	simm.s32 $0x3  }
0x4: {  	s16 =	simm.s32 $0x80;
	s18 =	simm.s32 $0x100;
	s21 =	simm.s32 $0x4400  }
0x5: {  	s22 =	simm.s32 $0x1;
	s23 =	simm.s32 $0x0;
	s5 =	smul.u32 $0x4F, s0  }
0x6: {  	s6 =	sand.u32 $0x1, s4;
	[smem:$0x7FF] =	sst s3;
	s26 =	smul.u32 $0x13C00, s0  }
0x7: {  	s29 =	smul.u32 $0x4F000, s0;
	s31 =	sshll.u32 s0, $0x6;
	p0 =	seq.s32 s6, $0x0  }
0x8: {  	_ =	strace $0x8000004D;
	s8 =	smul.u32 $0x13C000, s6;
	s6 =	ssub.s32 $0x2, s6  }
0x9: {  	s4 =	sadd.s32 $0x4F0, s5;
	s28 =	sshrl.u32 s26, $0x3;
	s9 =	sshrl.u32 s6, $0x1  }
0xa: {  	s30 =	sshrl.u32 s29, $0x2;
	s4 =	smov.u32 @p0 s5;
	s5 =	sadd.s32 s26, s8  }
0xb: {  	s12 =	ssub.s32 s6, s9;
	s14 =	sadd.s32 s30, s2;
	s6 =	sor.u32 $0x1C03, s31  }
0xc: {  	s7 =	sshll.u32 s4, $0x5;
	s4 =	sadd.s32 $0x17000, s1;
	s5 =	sshrl.u32 s5, $0x3  }
0xd: {  	s12 =	smax.u32 s12, $0x1;
	s13 =	sadd.s32 s7, s1;
	s7 =	sadd.s32 s28, s1  }
0xe: {  	s14 =	sshrl.u32 s14, $0x3;
	s1 =	sadd.s32 s5, s1;
	s5 =	sadd.s32 $0x3E200, s7  }
0xf: {  	s7 =	sadd.s32 $0x3400, s13;
	s8 =	sadd.s32 $0x3420, s13;
	s9 =	sadd.s32 $0x3440, s13  }
0x10: {  	s10 =	sadd.s32 $0x3460, s13;
	s11 =	sadd.s32 $0x65A00, s1;
	s13 =	sadd.s32 $0x3480, s13  }
.LBB2_1:
0x11: {  	[spmem:s14], [sflag:s6] =	dma.local [hbm:s5], $0x2780  }
0x12: {  	_ =	swait.ge [sflag:s15], $0x2780  }
0x13: {  	[sflag:s15] =	ssyncset.done $0x0  }
0x14: {  	[sflag:s15] =	ssyncadd.s32 $0xFFFFD880  }
0x15: {  	[tilespmem:s3], [sflag:$0x3] =	stream.linear.gather [hbm4b:s7+s3], $0x100, $0x38;
	v63 =	vld [tilespmem:$0x0]  }
0x16: {  	_ =	swait.ge [sflag:s15], $0x100  }
0x17: {  	[sflag:s15] =	ssyncset.done $0x0  }
0x18: {  	s0 =	simm.s32 $0x400;
	[sflag:s15] =	ssyncadd.s32 $0xFFFFFF00  }
0x19: {  	[tilespmem:s0], [sflag:$0x1] =	stream.indirect.gather [hbm4b:s4+s16], $0x80, s3, s16, $0xb8;
	v63 =	vld [tilespmem:$0x0]  }
0x1a: {  	_ = 	snop  }
0x1b: {  	[tilespmem:s18], [sflag:$0x2] =	stream.linear.gather [hbm4b:s8+s3], $0x100, $0x38;
	v63 =	vld [tilespmem:$0x0]  }
0x1c: {  	s1 =	simm.s32 $0x200  }
0x1d: {  	[tilespmem:s1], [sflag:$0x2] =	stream.linear.gather [hbm4b:s9+s3], $0x100, $0x38;
	v63 =	vld [tilespmem:$0x0]  }
0x1e: {  	s17 =	simm.s32 $0x300;
	s1 =	simm.s32 $0x2  }
0x1f: {  	[tilespmem:s17], [sflag:$0x2] =	stream.linear.gather [hbm4b:s10+s3], $0x100, $0x38;
	v63 =	vld [tilespmem:$0x0]  }
0x20: {  	p0 =	por $0x0, $0x0;
	s25 =	simm.s32 $0x800;
	_ =	swait.ge [sflag:s1], $0x100  }
0x21: {  	s26 =	simm.s32 $0x0;
	s24 =	simm.s32 $0x3;
	[sflag:s1] =	ssyncset.done $0x0  }
0x22: {  	s30 =	simm.s32 $0x4;
	[sflag:s1] =	ssyncadd.s32 $0xFFFFFF00;
	s1 =	smul.u32 @!p0 $0xAB, s1  }
0x23: {  	[tilespmem:s21], [sflag:$0x1] =	stream.indirect.gather [hbm4b:s4+s16], $0x80, s18, s16, $0xb8;
	v63 =	vld [tilespmem:$0x0]  }
0x24: {  	s26 =	smul.u32 $0xAB, s26;
	s25 =	sand.u32 @!p0 $0xC00, s25;
	s1 =	sshrl.u32 @!p0 s1, $0x9  }
0x25: {  	s28 =	simm.s32 @!p0 $0x2;
	[bflag:$0x0] =	sbarrier.arrive $0xFFFF;
	s1 =	sand.u32 @!p0 $0x7F, s1  }
0x26: {  	s26 =	sshrl.u32 s26, $0x9;
	_ =	swait.ge [sflag:s22], $0x4000;
	s1 =	smul.u32 @!p0 $0x3, s1  }
0x27: {  	s29 =	simm.s32 @!p0 $0x80;
	s26 =	sand.u32 $0x7F, s26;
	[sflag:s22] =	ssyncset.done $0x0  }
0x28: {  	s26 =	smul.u32 $0x3, s26;
	[sflag:s22] =	ssyncadd.s32 $0xFFFFC000;
	s1 =	ssub.s32 @!p0 $0x2, s1  }
0x29: {  	s25 =	sshrl.u32 @!p0 s25, $0x2;
	_ =	swait.ge @!p0 [sflag:s28], $0x100;
	s1 =	sand.u32 @!p0 $0xFF, s1  }
0x2a: {  	s26 =	ssub.s32 $0x0, s26;
	[sflag:s28] =	ssyncset.done @!p0 $0x0;
	s1 =	sshll.u32 @!p0 s1, $0xE  }
0x2b: {  	s26 =	sand.u32 $0xFF, s26;
	[sflag:s28] =	ssyncadd.s32 @!p0 $0xFFFFFF00;
	s1 =	sor.u32 @!p0 $0x400, s1  }
0x2c: {  	[tilespmem:s1], [sflag:$0x1] =	stream.indirect.gather @!p0 [hbm4b:s4+s29], $0x80, s25, s29, $0xb8;
	v63 =	vld [tilespmem:$0x0]  }
0x2d: {  	s31 =	smov.u32 s13;
	s19 =	sshll.u32 s26, $0xE;
	s1 =	sand.u32 $0x300, s3  }
0x2e: {  	s26 =	simm.s32 $0x100;
	s25 =	sor.u32 $0x400, s19;
	s20 =	sor.u32 $0x80, s1  }
0x2f: {  	[spmem:s2] =	stream.indirect.scatter.add.f32 [tilespmem:s25], [sflag:$0x3], $0x80, s20, s16, $0xb8;
	v63 =	vld [tilespmem:$0x0]  }
0x30: {  	s28 =	simm.s32 $0x1;
	p0 =	por $0x0, $0x0;
	_ =	swait.ge [sflag:s15], $0x4000  }
0x31: {  	s29 =	simm.s32 $0xC00;
	s25 =	sadd.s32 $0x20, s13;
	[sflag:s15] =	ssyncset.done $0x0  }
.LBB2_2:
0x32: {  	p1 =	sgt.u32 s28, $0x4C;
	s0 =	simm.s32 @!p0 $0x0;
	s17 =	smov.u32 s24  }
0x33: {  	s24 =	smov.u32 s30;
	p2 =	por p0, p0;
	p0 =	sgt.u32 s28, $0x4A  }
0x34: {  	s19 =	smul.u32 @!p1 $0xAB, s17;
	s20 =	sand.u32 @!p1 $0xC00, s29;
	[sflag:s15] =	ssyncadd.s32 $0xFFFFC000  }
0x35: {  	[tilespmem:s1], [sflag:$0x2] =	stream.linear.gather @!p2 [hbm4b:s31+s0], $0x100, $0x38;
	v63 =	vld [tilespmem:$0x0]  }
0x36: {  	s0 =	smul.u32 $0xAB, s28;
	_ =	swait.ge [sflag:s22], $0x4000;
	s1 =	sshrl.u32 @!p1 s19, $0x9  }
0x37: {  	s19 =	sshrl.u32 @!p1 s20, $0x2;
	[sflag:s22] =	ssyncset.done $0x0;
	s1 =	sand.u32 @!p1 $0x7F, s1  }
0x38: {  	s0 =	sshrl.u32 s0, $0x9;
	[sflag:s22] =	ssyncadd.s32 $0xFFFFC000;
	s1 =	smul.u32 @!p1 $0x3, s1  }
0x39: {  	s30 =	sadd.s32 $0x1, s30;
	s31 =	smov.u32 s25;
	s0 =	sand.u32 $0x7F, s0  }
0x3a: {  	s20 =	simm.s32 @!p1 $0x2;
	s0 =	smul.u32 $0x3, s0;
	s1 =	ssub.s32 @!p1 s17, s1  }
0x3b: {  	s17 =	simm.s32 @!p1 $0x80;
	_ =	swait.ge @!p1 [sflag:s20], $0x100;
	s1 =	sand.u32 @!p1 $0xFF, s1  }
0x3c: {  	s0 =	ssub.s32 s28, s0;
	[sflag:s20] =	ssyncset.done @!p1 $0x0;
	s1 =	sshll.u32 @!p1 s1, $0xE  }
0x3d: {  	s0 =	sand.u32 $0xFF, s0;
	[sflag:s20] =	ssyncadd.s32 @!p1 $0xFFFFFF00;
	s1 =	sor.u32 @!p1 $0x400, s1  }
0x3e: {  	[tilespmem:s1], [sflag:$0x1] =	stream.indirect.gather @!p1 [hbm4b:s4+s17], $0x80, s19, s17, $0xb8;
	v63 =	vld [tilespmem:$0x0]  }
0x3f: {  	p1 =	sne.s32 s30, $0x51  }
.Ltmp0:
0x40: {  	s0 =	sshll.u32 s0, $0xE;
	s1 =	sand.u32 $0x300, s26;
	(pc) =	sbr.rel @p1 .LBB2_2-.Ltmp0, $4  }
0x41: {  	s0 =	sor.u32 $0x400, s0;
	s17 =	sor.u32 $0x80, s1  }
0x42: {  	[spmem:s2] =	stream.indirect.scatter.add.f32 [tilespmem:s0], [sflag:$0x3], $0x80, s17, s16, $0xb8;
	v63 =	vld [tilespmem:$0x0]  }
0x43: {  	s29 =	sadd.s32 $0x400, s29;
	s26 =	sadd.s32 $0x100, s26;
	_ =	swait.ge [sflag:s15], $0x4000  }
0x44: {  	s25 =	sadd.s32 $0x20, s25;
	s28 =	sadd.s32 $0xFFFFFFFE, s24;
	[sflag:s15] =	ssyncset.done $0x0  }
0x45: {  	p1 =	sgt.u32 s28, $0x4C;
	s0 =	simm.s32 @!p0 $0x0  }
0x46: {  	p0 =	por p0, p0;
	[sflag:s15] =	ssyncadd.s32 $0xFFFFC000;
	s17 =	smul.u32 @!p1 $0xAB, s24  }
0x47: {  	[tilespmem:s1], [sflag:$0x2] =	stream.linear.gather @!p0 [hbm4b:s31+s0], $0x100, $0x38;
	v63 =	vld [tilespmem:$0x0]  }
0x48: {  	s30 =	smul.u32 $0xAB, s28;
	s1 =	sshrl.u32 @!p1 s17, $0x9  }
0x49: {  	s19 =	simm.s32 @!p1 $0x2;
	s20 =	simm.s32 @!p1 $0x80;
	s1 =	sand.u32 @!p1 $0x7F, s1  }
0x4a: {  	_ =	swait.ge [sflag:s22], $0x4000;
	s0 =	sshrl.u32 s30, $0x9;
	s1 =	smul.u32 @!p1 $0x3, s1  }
0x4b: {  	s17 =	sand.u32 @!p1 $0xC00, s29;
	[sflag:s22] =	ssyncset.done $0x0;
	s0 =	sand.u32 $0x7F, s0  }
0x4c: {  	[sflag:s22] =	ssyncadd.s32 $0xFFFFC000;
	s0 =	smul.u32 $0x3, s0;
	s1 =	ssub.s32 @!p1 s24, s1  }
0x4d: {  	s17 =	sshrl.u32 @!p1 s17, $0x2;
	_ =	swait.ge @!p1 [sflag:s19], $0x100;
	s1 =	sand.u32 @!p1 $0xFF, s1  }
0x4e: {  	s0 =	ssub.s32 s28, s0;
	[sflag:s19] =	ssyncset.done @!p1 $0x0;
	s1 =	sshll.u32 @!p1 s1, $0xE  }
0x4f: {  	s0 =	sand.u32 $0xFF, s0;
	[sflag:s19] =	ssyncadd.s32 @!p1 $0xFFFFFF00;
	s1 =	sor.u32 @!p1 $0x400, s1  }
0x50: {  	[tilespmem:s1], [sflag:$0x1] =	stream.indirect.gather @!p1 [hbm4b:s4+s20], $0x80, s17, s20, $0xb8;
	v63 =	vld [tilespmem:$0x0]  }
0x51: {  	s0 =	sshll.u32 s0, $0xE;
	s1 =	sand.u32 $0x300, s26  }
0x52: {  	s0 =	sor.u32 $0x400, s0;
	s31 =	sor.u32 $0x80, s1  }
0x53: {  	[spmem:s2] =	stream.indirect.scatter.add.f32 [tilespmem:s0], [sflag:$0x3], $0x80, s31, s16, $0xb8;
	v63 =	vld [tilespmem:$0x0]  }
0x54: {  	_ =	swait.ge [sflag:s15], $0x4000  }
0x55: {  	s23 =	sadd.s32 $0x1, s23;
	p0 =	sgt.u32 s28, $0x4A;
	[sflag:s15] =	ssyncset.done $0x0  }
0x56: {  	s0 =	simm.s32 @!p0 $0x0;
	p0 =	por p0, p0;
	[sflag:s15] =	ssyncadd.s32 $0xFFFFC000  }
0x57: {  	[tilespmem:s1], [sflag:$0x2] =	stream.linear.gather @!p0 [hbm4b:s25+s0], $0x100, $0x38;
	v63 =	vld [tilespmem:$0x0]  }
0x58: {  	p0 =	sne.s32 s23, s12  }
.Ltmp1:
0x59: {  	[bflag:$0x0] =	sbarrier.arrive $0xFFFF;
	(pc) =	sbr.rel @p0 .LBB2_1-.Ltmp1, $4  }
0x5a: {  	[hbm:s11], [sflag:s6] =	dma.local [spmem:s14], $0x2780  }
0x5b: {  	_ =	swait.ge [sflag:s15], $0x2780  }
0x5c: {  	[sflag:s15] =	ssyncset.done $0x0  }
0x5d: {  	[sflag:s15] =	ssyncadd.s32 $0xFFFFD880  }
0x5e: {  	_ =	sfence.sel $0x180000  }
0x5f: {  	[bflag:$0x0] =	sbarrier.arrive $0xFFFF  }
0x60: {  	_ =	strace $0x9000004D  }
0x61: {  	s0 =	stileid.u32;
	[bflag:$0x2] =	sbarrier.arrive $0xFFFF  }
0x62: {  	p0 =	sne.s32 s0, $0x0;
	s0 =	rddreg [dreg:$0x2]  }
0x63: {  	s0 =	sadd.s32 @!p0 $0x100000, s0  }
0x64: {  	[sflag:s0] =	ssyncadd.tile.s32 @!p0 $0x1;
	_ =	shalt  }
.Lfunc_end2:
_tile_overlayer_lowered:
.L_overlay_start_2:
0x65: {  	(tag) =	ssettag $0x2  }
0x66: {  	s0 =	rddreg [dreg:$0x0];
	s2 =	stileid.u32  }
0x67: {  	s1 =	rddreg [dreg:$0x1];
	p0 =	sne.s32 s2, $0x0  }
0x68: {  	s3 =	rddreg [dreg:$0x2];
	[bflag:$0x3] =	sbarrier.arrive $0xFFFF;
	s2 =	simm.s32 @!p0 $0x1C03  }
0x69: {  	[timem:s3], [sflag:s2] =	dma.local @!p0 [hbm:s0], s1  }
0x6a: {  	s0 =	simm.s32 @!p0 $0x3  }
0x6b: {  	_ =	swait.ge @!p0 [sflag:s0], s1  }
0x6c: {  	s1 =	ssub.s32 @!p0 $0x0, s1;
	[sflag:s0] =	ssyncset.done @!p0 $0x0  }
0x6d: {  	[sflag:s0] =	ssyncadd.s32 @!p0 s1  }
0x6e: {  	[bflag:$0x3] =	sbarrier.arrive $0xFFFF  }
0x6f: {  	_ =	shalt  }

// kernel: kernel.8.cloned.1.call-start
scs
__scs_entry_jumppad:
0x0: {  	(pc) =	sbr.rel $0x88, $3  }
0x1: {  	(tag) =	ssettag $0x0;
	lr =	simm.s32 $0x1  }
0x2: {  	[smem:$0x3F98] =	sst lr;
	_ =	strace $0xD0000000  }
0x3: {  	_ = 	snop  }
0x4: {  	_ = 	snop  }
0x5: {  	_ = 	snop  }
0x6: {  	_ = 	snop  }
0x7: {  	_ = 	snop  }
__scs_overlays_trampoline_lowered:
0x8: {  	[smem:$0x3FA7] =	sst s0  }
0x9: {  	[smem:$0x3FA8] =	sst s1  }
0xa: {  	[smem:$0x3FA9] =	sst s2  }
0xb: {  	[smem:$0x3FAA] =	sst s3  }
0xc: {  	[smem:$0x3FAB] =	sst s4  }
0xd: {  	[smem:$0x3FAC] =	sst s5  }
0xe: {  	[smem:$0x3FAD] =	sst s6  }
0xf: {  	[smem:$0x3FAE] =	sst s7  }
0x10: {  	[smem:$0x3FAF] =	sst s8  }
0x11: {  	[smem:$0x3FB0] =	sst s9;
	s0 =	simm.s32 @!p0 $0x0  }
0x12: {  	s1 =	sld [smem:$0x3F96];
	s0 =	simm.s32 @p0 $0x1  }
0x13: {  	[smem:$0x3FB1] =	sst s0;
	s0 =	simm.s32 @!p1 $0x0  }
0x14: {  	s2 =	sld [smem:$0x3F95];
	s0 =	simm.s32 @p1 $0x1  }
0x15: {  	[smem:$0x3FB2] =	sst s0;
	s0 =	simm.s32 @!p2 $0x0  }
0x16: {  	s3 =	sld [smem:$0x3FDB];
	s0 =	simm.s32 @p2 $0x1  }
0x17: {  	s4 =	simm.s32 $0x1BF5;
	[smem:$0x3FB4] =	sst s0  }
0x18: {  	s0 =	sld [smem:$0x3F97];
	_ =	swait.ge [sflag:s4], $0x0  }
0x19: {  	s7 =	sld [smem:$0x3F98]  }
0x1a: {  	s8 =	sadd.s32 $0xFFFFE003, lr  }
0x1b: {  	s9 =	sadd.s32 $0xFFFFFEF7, lr;
	s5 =	simm.s32 $0xFFFFFFFF;
	p2 =	slt.u32 s8, $0xFFFFF086  }
0x1c: {  	p1 =	slt.u32 s9, $0xF7A;
	s5 =	simm.s32 @!p2 $0x0  }
0x1d: {  	s5 =	simm.s32 @p1 $0x1;
	p0 =	seq.s32 s7, s2  }
0x1e: {  	s7 =	smul.u32 @!p0 $0xF7A, s2;
	p2 =	seq.s32 @!p0 s5, $0x0  }
0x1f: {  	s9 =	smul.u32 $0xF7A, s1;
	s8 =	simm.s32 @!p0 $0x1BF5;
	p2 =	por !p2, p0  }
0x20: {  	[sflag:s8] =	ssyncset.s32 @!p0 $0xFFFFF086;
	s6 =	sadd.s32 @!p0 s3, s7;
	s7 =	simm.s32 @!p0 $0x108  }
0x21: {  	s3 =	sadd.s32 s3, s9;
	s6 =	sadd.s32 @!p0 $0x88, s6;
	s7 =	simm.s32 @p2 $0x1082  }
0x22: {  	[simem:s7], [sflag:s8] =	dma.local @!p0 [hbm:s6], $0xF7A  }
0x23: {  	s9 =	sor.u32 $0xD0000000, s2;
	s6 =	simm.s32 $0x108;
	_ =	swait.ge @!p0 [sflag:s8], $0x0  }
0x24: {  	s3 =	sadd.s32 $0x88, s3;
	s6 =	simm.s32 @!p1 $0x1082;
	[sflag:s4] =	ssyncset.s32 $0xFFFFF086  }
0x25: {  	[simem:s6], [sflag:s4] =	dma.local [hbm:s3], $0xF7A  }
0x26: {  	[smem:$0x3F98] =	sst s1;
	(tag) =	ssettag s2;
	_ =	strace s9  }
0x27: {  	s1 =	sld [smem:$0x3FA8]  }
0x28: {  	s2 =	sld [smem:$0x3FA9]  }
0x29: {  	s4 =	sld [smem:$0x3FAB]  }
0x2a: {  	p0 =	seq.s32 s5, $0x0;
	s5 =	sld [smem:$0x3FAC]  }
0x2b: {  	s6 =	sld [smem:$0x3FAD]  }
0x2c: {  	s7 =	sld [smem:$0x3FAE]  }
0x2d: {  	s3 =	simm.s32 $0x108;
	s8 =	sld [smem:$0x3FAF]  }
0x2e: {  	s3 =	simm.s32 @!p0 $0x1082;
	s9 =	sld [smem:$0x3FB0]  }
0x2f: {  	lr =	sadd.s32 s0, s3;
	s0 =	sld [smem:$0x3FA7]  }
0x30: {  	s3 =	sld [smem:$0x3FAA]  }
0x31: {  	[smem:$0x3FB3] =	sst s10  }
0x32: {  	s10 =	sld [smem:$0x3FB1];
	_ =	sdelay $0x3  }
0x33: {  	p0 =	seq.s32 s10, $0x1;
	s10 =	sld [smem:$0x3FB3];
	_ =	sdelay $0x3  }
0x34: {  	[smem:$0x3FB3] =	sst s10  }
0x35: {  	s10 =	sld [smem:$0x3FB2];
	_ =	sdelay $0x3  }
0x36: {  	p1 =	seq.s32 s10, $0x1;
	s10 =	sld [smem:$0x3FB3];
	_ =	sdelay $0x3  }
0x37: {  	[smem:$0x3FB3] =	sst s10  }
0x38: {  	s10 =	sld [smem:$0x3FB4]  }
0x39: {  	_ = 	snop;
	(pc) =	sbr.ind lr, $3  }
0x3a: {  	_ = 	snop  }
0x3b: {  	_ = 	snop  }
0x3c: {  	p2 =	seq.s32 s10, $0x1;
	s10 =	sld [smem:$0x3FB3]  }
0x3d: {  	_ =	shalt  }
0x3e: {  	_ =	shalt  }
0x3f: {  	_ =	shalt  }
0x40: {  	_ =	shalt  }
0x41: {  	_ =	shalt  }
0x42: {  	_ =	shalt  }
0x43: {  	_ =	shalt  }
0x44: {  	_ =	shalt  }
0x45: {  	_ =	shalt  }
0x46: {  	_ =	shalt  }
0x47: {  	_ =	shalt  }
0x48: {  	_ =	shalt  }
0x49: {  	_ =	shalt  }
0x4a: {  	_ =	shalt  }
0x4b: {  	_ =	shalt  }
0x4c: {  	_ =	shalt  }
0x4d: {  	_ =	shalt  }
0x4e: {  	_ =	shalt  }
0x4f: {  	_ =	shalt  }
0x50: {  	_ =	shalt  }
0x51: {  	_ =	shalt  }
0x52: {  	_ =	shalt  }
0x53: {  	_ =	shalt  }
0x54: {  	_ =	shalt  }
0x55: {  	_ =	shalt  }
0x56: {  	_ =	shalt  }
0x57: {  	_ =	shalt  }
0x58: {  	_ =	shalt  }
0x59: {  	_ =	shalt  }
0x5a: {  	_ =	shalt  }
0x5b: {  	_ =	shalt  }
0x5c: {  	_ =	shalt  }
0x5d: {  	_ =	shalt  }
0x5e: {  	_ =	shalt  }
0x5f: {  	_ =	shalt  }
0x60: {  	_ =	shalt  }
0x61: {  	_ =	shalt  }
0x62: {  	_ =	shalt  }
0x63: {  	_ =	shalt  }
0x64: {  	_ =	shalt  }
0x65: {  	_ =	shalt  }
0x66: {  	_ =	shalt  }
0x67: {  	_ =	shalt  }
0x68: {  	_ =	shalt  }
0x69: {  	_ =	shalt  }
0x6a: {  	_ =	shalt  }
0x6b: {  	_ =	shalt  }
0x6c: {  	_ =	shalt  }
0x6d: {  	_ =	shalt  }
0x6e: {  	_ =	shalt  }
0x6f: {  	_ =	shalt  }
0x70: {  	_ =	shalt  }
0x71: {  	_ =	shalt  }
0x72: {  	_ =	shalt  }
0x73: {  	_ =	shalt  }
0x74: {  	_ =	shalt  }
0x75: {  	_ =	shalt  }
0x76: {  	_ =	shalt  }
0x77: {  	_ =	shalt  }
0x78: {  	_ =	shalt  }
0x79: {  	_ =	shalt  }
0x7a: {  	_ =	shalt  }
0x7b: {  	_ =	shalt  }
0x7c: {  	_ =	shalt  }
0x7d: {  	_ =	shalt  }
0x7e: {  	_ =	shalt  }
0x7f: {  	_ =	shalt  }
0x80: {  	_ =	shalt  }
0x81: {  	_ =	shalt  }
0x82: {  	_ =	shalt  }
0x83: {  	_ =	shalt  }
0x84: {  	_ =	shalt  }
0x85: {  	_ =	shalt  }
0x86: {  	_ =	shalt  }
0x87: {  	_ =	shalt  }
.Lfunc_end0:
.L_simem_size_0:
called_computation_lowered:
.L_overlay_start_0:
0x88: {  	s2 =	sld [smem:$0x3FD9]  }
0x89: {  	s3 =	sld [smem:$0x3FFE];
	_ =	sdelay $0x1  }
0x8a: {  	s1 =	srdreg.scid  }
0x8b: {  	s0 =	sand.u32 $0x1, s1  }
0x8c: {  	s17 =	sshll.u32 s0, $0xA;
	s2 =	sadd.s32 s3, s2  }
0x8d: {  	s2 =	sadd.s32 s2, s17  }
0x8e: {  	[smem:$0x3FBF] =	sst s2  }
0x8f: {  	_ = 	snop  }
0x90: {  	s2 =	sld [smem:$0x3FD0];
	(tm) =	ssettm $0x1  }
0x91: {  	s18 =	sld [smem:$0x3FFB];
	_ =	sdelay $0x3  }
0x92: {  	_ =	strace s18  }
0x93: {  	s3 =	sld [smem:$0x3FFC];
	_ =	sdelay $0x3  }
0x94: {  	_ =	strace s3  }
0x95: {  	s3 =	sld [smem:$0x3FFD];
	_ =	sdelay $0x3  }
0x96: {  	_ =	strace s3  }
0x97: {  	_ =	strace $0x8FFFFFFF  }
0x98: {  	s19 =	sld [smem:$0x3FDB];
	_ =	sdelay $0x1  }
0x99: {  	s4 =	simm.s32 $_scs_section_size  }
0x9a: {  	s5 =	simm.s32 $_size__tile_overlayer_lowered;
	s6 =	simm.s32 $_tile_overlayer_lowered  }
0x9b: {  	s22 =	simm.s32 $0x1BFF;
	s21 =	sshll.u32 s6, $0x1;
	s3 =	sadd.s32 s4, s19  }
0x9c: {  	s7 =	simm.s32 $0x0;
	s20 =	sshll.u32 s5, $0x1;
	s5 =	sadd.s32 s21, s3  }
0x9d: {  	[timem:s7], [sflag:s22] =	dma.local [hbm:s5], s20  }
0x9e: {  	_ =	swait.ge [sflag:s22], s20  }
0x9f: {  	s4 =	ssub.s32 $0x0, s20;
	[sflag:s22] =	ssyncset.done $0x0  }
0xa0: {  	[sflag:s22] =	ssyncadd.s32 s4;
	_ =	sdelay $0x1  }
0xa1: {  	s23 =	simm.s32 $0x1B8B  }
0xa2: {  	_ =	swait.ge [sflag:s23], $0x1  }
0xa3: {  	[sflag:s23] =	ssyncset.done $0x0  }
0xa4: {  	s25 =	simm.s32 $0x1B8E;
	s24 =	sld [smem:$0x3FFE];
	[sflag:s23] =	ssyncadd.s32 $0xFFFFFFFF  }
0xa5: {  	s26 =	simm.s32 $execute0_lowered;
	[smem:$0x3FD2] =	sst s25  }
0xa6: {  	s5 =	sshll.u32 s26, $0x1;
	_ =	strace $0x80000046;
	[dreg:$0x1] =	wrdreg $0xFFFFFFFF  }
0xa7: {  	s28 =	simm.s32 $_size_execute0_lowered;
	s3 =	sadd.s32 s3, s5;
	[dreg:$0x0] =	wrdreg $0x0  }
0xa8: {  	s5 =	sshll.u32 s28, $0x1;
	[dreg:$0x2] =	wrdreg s3  }
0xa9: {  	[dreg:$0x3] =	wrdreg s5  }
0xaa: {  	[dreg:$0x4] =	wrdreg $0xC0  }
0xab: {  	_ =	task [dreg:s7], $0x5FFFF  }
0xac: {  	[dreg:$0x1] =	wrdreg $0xFFFFFFFF  }
0xad: {  	[dreg:$0x0] =	wrdreg $0x60  }
0xae: {  	[dreg:$0x2] =	wrdreg s24  }
0xaf: {  	[dreg:$0x3] =	wrdreg s2  }
0xb0: {  	[dreg:$0x4] =	wrdreg $0x4F800  }
0xb1: {  	[dreg:$0x5] =	wrdreg $0x9  }
0xb2: {  	_ =	task.clear_ibuf [dreg:s7], $0x6FFFF;
	_ =	strace $0x90000046  }
0xb3: {  	s29 =	simm.s32 $0x9;
	_ =	strace $0x80000048  }
0xb4: {  	_ =	swait.ge [sflag:s29], $0x1  }
0xb5: {  	[sflag:s29] =	ssyncadd.s32 $0xFFFFFFFF  }
0xb6: {  	_ =	strace $0x90000048  }
0xb7: {  	_ =	sfence  }
0xb8: {  	s30 =	sld [smem:$0x0];
	_ =	sdelay $0x2  }
0xb9: {  	s31 =	sshll.u32 s1, $0xD;
	s1 =	sshrl.u32 s1, $0x2  }
0xba: {  	s3 =	sand.u32 $0x4000, s31;
	s1 =	sadd.s32 s1, s30  }
0xbb: {  	s0 =	sor.u32 s3, s0;
	s1 =	sshll.u32 s1, $0x11  }
0xbc: {  	s0 =	sor.u32 s1, s0  }
0xbd: {  	s0 =	sadd.s32 $0x8F2B, s0  }
0xbe: {  	[sflag:s0] =	ssyncadd.remote.s32 $0x1  }
0xbf: {  	_ =	sfence.sel $0xFFFF  }
0xc0: {  	[dreg:$0x0] =	wrdreg $0xFFFFFFFF;
	(pc) =	sbr.abs _section_cstart, $3  }
0xc1: {  	[dreg:$0x1] =	wrdreg $0xFFFFFFFF  }
0xc2: {  	_ =	task.clear_ibuf [dreg:s7], $0x2FFFF;
	_ =	strace $0x9FFFFFFF  }
0xc3: {  	(tm) =	ssettm $0x7FFFFFFF  }
tec
execute0_lowered:
.L_overlay_start_1:
0x0: {  	(tag) =	ssettag $0x1  }
0x1: {  	s5 =	rddreg [dreg:$0x0]  }
0x2: {  	s2 =	rddreg [dreg:$0x1]  }
0x3: {  	s3 =	rddreg [dreg:$0x2]  }
0x4: {  	s0 =	rddreg [dreg:$0x3];
	s1 =	stileid.u32  }
0x5: {  	s4 =	simm.s32 $0x0;
	s6 =	srdreg.scid;
	s14 =	simm.s32 $0x0  }
0x6: {  	s7 =	smul.u32 $0x4F00, s1;
	[smem:$0x7FF] =	sst s4;
	s6 =	sand.u32 $0x1, s6  }
0x7: {  	s9 =	smul.u32 $0x280, s1;
	s31 =	sshll.u32 s1, $0x6;
	p0 =	seq.s32 s6, $0x0  }
0x8: {  	s30 =	smul.u32 $0x2800, s6;
	_ =	strace $0x80000047;
	s6 =	ssub.s32 $0x2, s6  }
0x9: {  	s8 =	sadd.s32 $0x4F000, s7;
	s10 =	sshrl.u32 s9, $0x3;
	s11 =	sshrl.u32 s6, $0x1  }
0xa: {  	s13 =	sadd.s32 s9, s3;
	s8 =	smov.u32 @p0 s7;
	s7 =	sadd.s32 s9, s30  }
0xb: {  	s10 =	sadd.s32 s10, s5;
	s11 =	ssub.s32 s6, s11;
	s6 =	sor.u32 $0x1C01, s31  }
0xc: {  	s8 =	sshrl.u32 s8, $0x3;
	s7 =	sshrl.u32 s7, $0x3;
	s9 =	smax.u32 s11, $0x1  }
0xd: {  	s11 =	simm.s32 $0x1;
	s8 =	sadd.s32 s8, s5;
	s12 =	sadd.s32 s7, s5  }
0xe: {  	s5 =	sadd.s32 $0x17000, s10;
	s10 =	sshrl.u32 s13, $0x3;
	s13 =	simm.s32 $0x80  }
0xf: {  	s7 =	sadd.s32 $0x3400, s8;
	s8 =	sadd.s32 $0x17600, s12;
	s12 =	simm.s32 $0x4F00  }
.LBB2_1:
0x10: {  	[spmem:s10], [sflag:s6] =	dma.local [hbm:s5], $0x50  }
0x11: {  	_ =	swait.ge [sflag:s11], $0x50  }
0x12: {  	[sflag:s11] =	ssyncset.done $0x0  }
0x13: {  	[sflag:s11] =	ssyncadd.s32 $0xFFFFFFB0  }
0x14: {  	[tilespmem:s4], [sflag:$0x1] =	stream.linear.gather [hbm4b:s7+s4], $0x4F00, $0x38;
	[tilespmem:$0x5200] =	vst v63  }
0x15: {  	_ =	swait.ge [sflag:s11], $0x4F00  }
0x16: {  	[sflag:s11] =	ssyncset.done $0x0  }
0x17: {  	[sflag:s11] =	ssyncadd.s32 $0xFFFFB100  }
0x18: {  	[tilespmem:s12], [sflag:$0x1] =	stream.linear.gather [hbm4b:s2+s4], $0x80, $0x38;
	[tilespmem:$0x5200] =	vst v63  }
0x19: {  	_ =	swait.ge [sflag:s11], $0x80  }
0x1a: {  	[sflag:s11] =	ssyncset.done $0x0  }
0x1b: {  	[sflag:s11] =	ssyncadd.s32 $0xFFFFFF80  }
0x1c: {  	s15 =	simm.s32 $0x80;
	[bflag:$0x0] =	sbarrier.arrive $0xFFFF  }
0x1d: {  	[spmem:s3] =	stream.indirect.scatter.add.f32 [tilespmem:s12], [sflag:$0x1], $0x1, s15, s13, $0xb8;
	[tilespmem:$0x5200] =	vst v63  }
0x1e: {  	_ =	swait.ge [sflag:s11], $0x80  }
0x1f: {  	s15 =	simm.s32 $0x600;
	[sflag:s11] =	ssyncset.done $0x0  }
.LBB2_2:
0x20: {  	s16 =	sshra.s32 s15, $0x2;
	[sflag:s11] =	ssyncadd.s32 $0xFFFFFF80;
	p0 =	sne.s32 s15, $0x13A00  }
0x21: {  	[spmem:s3] =	stream.indirect.scatter.add.f32 [tilespmem:s12], [sflag:$0x1], $0x1, s16, s13, $0xb8;
	[tilespmem:$0x5200] =	vst v63  }
.Ltmp0:
0x22: {  	_ = 	snop;
	(pc) =	sbr.rel @p0 .LBB2_2-.Ltmp0, $4  }
0x23: {  	_ = 	snop  }
0x24: {  	s15 =	sadd.s32 $0x400, s15  }
0x25: {  	_ =	swait.ge [sflag:s11], $0x80  }
0x26: {  	[sflag:s11] =	ssyncset.done $0x0  }
0x27: {  	s14 =	sadd.s32 $0x1, s14  }
0x28: {  	[sflag:s11] =	ssyncadd.s32 $0xFFFFFF80;
	p0 =	sne.s32 s14, s9  }
.Ltmp1:
0x29: {  	[bflag:$0x0] =	sbarrier.arrive $0xFFFF;
	(pc) =	sbr.rel @p0 .LBB2_1-.Ltmp1, $4  }
0x2a: {  	[hbm:s8], [sflag:s6] =	dma.local [spmem:s10], $0x50  }
0x2b: {  	_ =	swait.ge [sflag:s11], $0x50  }
0x2c: {  	[sflag:s11] =	ssyncset.done $0x0  }
0x2d: {  	[sflag:s11] =	ssyncadd.s32 $0xFFFFFFB0  }
0x2e: {  	_ =	sfence.sel $0x180000  }
0x2f: {  	[bflag:$0x0] =	sbarrier.arrive $0xFFFF  }
0x30: {  	p0 =	sne.s32 s1, $0x0;
	_ =	strace $0x90000047  }
0x31: {  	s0 =	sadd.s32 @!p0 $0x100000, s0;
	[bflag:$0x2] =	sbarrier.arrive $0xFFFF  }
0x32: {  	[sflag:s0] =	ssyncadd.tile.s32 @!p0 $0x1;
	_ =	shalt  }
.Lfunc_end2:
_tile_overlayer_lowered:
.L_overlay_start_2:
0x33: {  	(tag) =	ssettag $0x2  }
0x34: {  	s0 =	rddreg [dreg:$0x0];
	s2 =	stileid.u32  }
0x35: {  	s1 =	rddreg [dreg:$0x1];
	p0 =	sne.s32 s2, $0x0  }
0x36: {  	s3 =	rddreg [dreg:$0x2];
	[bflag:$0x3] =	sbarrier.arrive $0xFFFF;
	s2 =	simm.s32 @!p0 $0x1C01  }
0x37: {  	[timem:s3], [sflag:s2] =	dma.local @!p0 [hbm:s0], s1  }
0x38: {  	s0 =	simm.s32 @!p0 $0x1  }
0x39: {  	_ =	swait.ge @!p0 [sflag:s0], s1  }
0x3a: {  	s1 =	ssub.s32 @!p0 $0x0, s1;
	[sflag:s0] =	ssyncset.done @!p0 $0x0  }
0x3b: {  	[sflag:s0] =	ssyncadd.s32 @!p0 s1  }
0x3c: {  	[bflag:$0x3] =	sbarrier.arrive $0xFFFF  }
0x3d: {  	_ =	shalt  }

</sc_bundles>
